<compile_context>
chip_gen: v7x
topology: tpu7x:2x2x1
jax: 0.10.2.dev20260603
libtpu: 0.0.44.dev20260713+nightly
codegen_flags: <defaults>
</compile_context>

<pallas_src>
import functools

import jax
import jax.numpy as jnp
from jax import lax
from jax.experimental import pallas as pl
from jax.experimental.pallas import tpu as pltpu
from jax.experimental.pallas import tpu_sc as plsc

_NC = 2
_NS = 16
_LANES = 16
_NW = _NC * _NS
_CHUNKS = 4


def _mesh():
    return plsc.VectorSubcoreMesh(core_axis_name="c", subcore_axis_name="s")


@functools.lru_cache(maxsize=None)
def _build_k1(batch: int, n_fields: int):
    s_per_w = batch // _NW
    s_chunk = s_per_w // _CHUNKS
    g_chunk = s_chunk // _LANES
    n_per_w = s_per_w * n_fields

    @functools.partial(
        pl.kernel,
        mesh=_mesh(),
        out_type=jax.ShapeDtypeStruct((batch * n_fields,), jnp.int32),
        compiler_params=pltpu.CompilerParams(needs_layout_passes=False),
        scratch_types=[
            pltpu.VMEM((s_per_w, n_fields), jnp.int32),
            pltpu.VMEM((n_per_w,), jnp.int32),
        ],
    )
    def k1(x_hbm, idx_hbm, x_v, idx_v):
        wid = lax.axis_index("s") * _NC + lax.axis_index("c")
        pltpu.sync_copy(x_hbm.at[pl.ds(wid * s_per_w, s_per_w), :], x_v)
        lane = lax.iota(jnp.int32, _LANES)

        def grp(t, carry):
            c = t // g_chunk
            g = t - c * g_chunk
            sl = c * s_chunk + g * _LANES + lane
            base = c * s_chunk * n_fields + g * _LANES
            for j in range(n_fields):
                v = plsc.load_gather(x_v, [sl, lane * 0 + j])
                idx_v[pl.ds(base + j * s_chunk, _LANES)] = v
            return carry

        lax.fori_loop(0, _CHUNKS * g_chunk, grp, 0)
        pltpu.sync_copy(idx_v, idx_hbm.at[pl.ds(wid * n_per_w, n_per_w)])

    return k1


@functools.lru_cache(maxsize=None)
def _build_k2(batch: int, n_fields: int):
    s_per_w = batch // _NW
    s_chunk = s_per_w // _CHUNKS
    g_chunk = s_chunk // _LANES
    n_per_w = s_per_w * n_fields
    n_chunk = s_chunk * n_fields

    @functools.partial(
        pl.kernel,
        mesh=_mesh(),
        out_type=jax.ShapeDtypeStruct((batch,), jnp.float32),
        compiler_params=pltpu.CompilerParams(needs_layout_passes=False),
        scratch_types=(
            [pltpu.VMEM((n_per_w,), jnp.int32)]
            + [pltpu.VMEM((n_chunk,), jnp.float32) for _ in range(_CHUNKS)]
            + [pltpu.VMEM((1,), jnp.float32),
               pltpu.VMEM((s_per_w,), jnp.float32)]
            + [pltpu.SemaphoreType.DMA for _ in range(_CHUNKS)]
        ),
    )
    def k2(idx_hbm, tab_hbm, bias_hbm, out_hbm, *scr):
        idx_v = scr[0]
        val_vs = scr[1:1 + _CHUNKS]
        bias_v, out_v = scr[1 + _CHUNKS:3 + _CHUNKS]
        sems = scr[3 + _CHUNKS:]
        wid = lax.axis_index("s") * _NC + lax.axis_index("c")
        pltpu.sync_copy(idx_hbm.at[pl.ds(wid * n_per_w, n_per_w)], idx_v)
        pltpu.sync_copy(bias_hbm, bias_v)
        bias_vec = plsc.load_gather(bias_v, [lax.iota(jnp.int32, _LANES) * 0])

        def start(c):
            return pltpu.async_copy(
                tab_hbm.at[idx_v.at[pl.ds(c * n_chunk, n_chunk)]],
                val_vs[c], sems[c])

        def reduce(c):
            val_v = val_vs[c]

            def grp(g, carry):
                acc = bias_vec
                for j in range(n_fields):
                    acc = acc + val_v[pl.ds(j * s_chunk + g * _LANES, _LANES)]
                sig = 1.0 / (1.0 + jnp.exp(-acc))
                out_v[pl.ds(c * s_chunk + g * _LANES, _LANES)] = sig
                return carry

            lax.fori_loop(0, g_chunk, grp, 0)

        dmas = [start(c) for c in range(_CHUNKS)]
        for c in range(_CHUNKS):
            dmas[c].wait()
            reduce(c)
        pltpu.sync_copy(out_v, out_hbm.at[pl.ds(wid * s_per_w, s_per_w)])

    return k2


def kernel(x, table, bias):
    batch, n_fields = x.shape
    tab_flat = table.astype(jnp.float32).reshape(-1)
    bias1 = bias.reshape(-1)[:1].astype(jnp.float32)
    idx_flat = _build_k1(batch, n_fields)(x.astype(jnp.int32))
    out = _build_k2(batch, n_fields)(idx_flat, tab_flat, bias1)
    return out.reshape(batch, 1)

# --- scband reference (transcript-rebuilt; emitter-appended) ---
"""Pipeline reference for scband-lr-79250736546630 (READ-ONLY COPY).

The authoritative reference and input builder live on the scoring server;
editing this copy changes nothing except your own understanding.
"""

import jax, jax.numpy as jnp
import numpy as np

FEATURE_NUMS = 1000000
BATCH = 16384
N_FIELDS = 26

def setup_inputs(seed: int = 0) -> dict:
    key = jax.random.key(seed)
    k_idx, k_tab = jax.random.split(key)
    x = jax.random.randint(k_idx, (BATCH, N_FIELDS), 0, FEATURE_NUMS, dtype=jnp.int64 if jax.config.jax_enable_x64 else jnp.int32)
    table = jax.random.normal(k_tab, (FEATURE_NUMS, 1), dtype=jnp.float32) * 0.01
    bias = jnp.zeros((1,), dtype=jnp.float32)
    return {"x": x, "table": table, "bias": bias}

def reference(x, table, bias):
    # FeatureEmbedding(feature_nums, 1): gather per-feature scalar weights -> [B, F, 1]
    emb = jnp.take(table, x, axis=0)
    # sum over field dim, add bias, sigmoid -> [B, 1]
    lr = emb.sum(axis=1) + bias
    return jax.nn.sigmoid(lr)

if __name__ == "__main__":
    import jax
    _d = setup_inputs()
    print(jax.jit(kernel)(*tuple(_d.values())))

</pallas_src>

<mosaic_0001>
#map = affine_map<(d0, d1) -> (0, 0)>
#map1 = affine_map<(d0, d1) -> (0)>
module attributes {stable_mosaic.version = 14 : i64} {
  func.func @k1(%arg0: i32, %arg1: i32, %arg2: memref<16384x26xi32, #tpu.memory_space<hbm>>, %arg3: memref<425984xi32, #tpu.memory_space<hbm>>, %arg4: memref<512x26xi32, #tpu.memory_space<vmem>>, %arg5: memref<13312xi32, #tpu.memory_space<vmem>>) attributes {dimension_semantics = [#tpu.dimension_semantics<core_parallel>, #tpu.dimension_semantics<subcore_parallel>], iteration_bounds = array<i64: 2, 16>, scalar_prefetch = 0 : i64, scratch_operands = 2 : i64, tpu.core_type = #tpu.core_type<sc_vector_subcore>, window_params = [{transform_indices = #map}, {transform_indices = #map1}]} {
    %mul3A = arith.constant 2 : i32
    %mul3A_0 = arith.muli %arg1, %mul3A : i32
    %add3A = arith.addi %mul3A_0, %arg0 : i32
    %mul3A_1 = arith.constant 512 : i32
    %mul3A_2 = arith.muli %add3A, %mul3A_1 : i32
    "tpu.region"() ({
      %run_scoped3A = tpu.sem_alloc : memref<!tpu.dma_semaphore, #tpu.memory_space<semaphore_mem>>
      %dma_start3A = arith.constant 0 : i32
      %dma_start3A_10 = tpu.memref_slice %arg2[%mul3A_2, %dma_start3A] : memref<16384x26xi32, #tpu.memory_space<hbm>> -> memref<512x26xi32, #tpu.memory_space<hbm>>
      %dma_start3A_11 = arith.constant 0 : i32
      %dma_start3A_12 = tpu.memref_slice %arg2[%mul3A_2, %dma_start3A_11] : memref<16384x26xi32, #tpu.memory_space<hbm>> -> memref<512x26xi32, #tpu.memory_space<hbm>>
      tpu.enqueue_dma source(%dma_start3A_12 : memref<512x26xi32, #tpu.memory_space<hbm>>) target(%arg4 : memref<512x26xi32, #tpu.memory_space<vmem>>) target_semaphore(%run_scoped3A : memref<!tpu.dma_semaphore, #tpu.memory_space<semaphore_mem>>)
      %dma_wait3A = arith.constant 0 : i32
      %dma_wait3A_13 = tpu.memref_slice %arg2[%mul3A_2, %dma_wait3A] : memref<16384x26xi32, #tpu.memory_space<hbm>> -> memref<512x26xi32, #tpu.memory_space<hbm>>
      %dma_wait3A_14 = arith.constant 0 : i32
      %dma_wait3A_15 = tpu.memref_slice %arg2[%mul3A_2, %dma_wait3A_14] : memref<16384x26xi32, #tpu.memory_space<hbm>> -> memref<512x26xi32, #tpu.memory_space<hbm>>
      tpu.wait_dma2 semaphore(%run_scoped3A : memref<!tpu.dma_semaphore, #tpu.memory_space<semaphore_mem>>) src(%dma_wait3A_15 : memref<512x26xi32, #tpu.memory_space<hbm>>) dst(%arg4 : memref<512x26xi32, #tpu.memory_space<vmem>>)
      tpu.yield
    }) : () -> ()
    %iota3A = tpu.iota {dimensions = array<i32: 0>} : vector<16xi32>
    %scan3A = arith.constant 0 : i32
    %scan3A_3 = arith.constant 0 : i32
    %scan3A_4 = arith.constant 32 : i32
    %scan3A_5 = arith.addi %scan3A_3, %scan3A_4 : i32
    %scan3A_6 = arith.constant 1 : i32
    scf.for %scan3A_10 = %scan3A_3 to %scan3A_5 step %scan3A_6  : i32 {
      %jit3A = arith.constant 8 : i32
      %div3A = arith.divsi %scan3A_10, %jit3A : i32
      %sign3A = arith.constant 0 : i32
      %sign3A_11 = arith.cmpi sgt, %scan3A_10, %sign3A : i32
      %sign3A_12 = arith.extui %sign3A_11 : i1 to i32
      %sign3A_13 = arith.constant 0 : i32
      %sign3A_14 = arith.cmpi slt, %scan3A_10, %sign3A_13 : i32
      %sign3A_15 = arith.extui %sign3A_14 : i1 to i32
      %sign3A_16 = arith.subi %sign3A_12, %sign3A_15 : i32
      %sign3A_17 = arith.constant 0 : i32
      %sign3A_18 = arith.cmpi sgt, %jit3A, %sign3A_17 : i32
      %sign3A_19 = arith.extui %sign3A_18 : i1 to i32
      %sign3A_20 = arith.constant 0 : i32
      %sign3A_21 = arith.cmpi slt, %jit3A, %sign3A_20 : i32
      %sign3A_22 = arith.extui %sign3A_21 : i1 to i32
      %sign3A_23 = arith.subi %sign3A_19, %sign3A_22 : i32
      %ne3A = arith.cmpi ne, %sign3A_16, %sign3A_23 : i32
      %rem3A = arith.remsi %scan3A_10, %jit3A : i32
      %ne3A_24 = arith.constant 0 : i32
      %ne3A_25 = arith.cmpi ne, %rem3A, %ne3A_24 : i32
      %and3A = arith.andi %ne3A, %ne3A_25 : i1
      %sub3A = arith.constant 1 : i32
      %sub3A_26 = arith.subi %div3A, %sub3A : i32
      %select_n3A = arith.select %and3A, %sub3A_26, %div3A : i32
      %mul3A_27 = arith.constant 8 : i32
      %mul3A_28 = arith.muli %select_n3A, %mul3A_27 : i32
      %sub3A_29 = arith.subi %scan3A_10, %mul3A_28 : i32
      %mul3A_30 = arith.constant 128 : i32
      %mul3A_31 = arith.muli %select_n3A, %mul3A_30 : i32
      %mul3A_32 = arith.constant 16 : i32
      %mul3A_33 = arith.muli %sub3A_29, %mul3A_32 : i32
      %add3A_34 = arith.addi %mul3A_31, %mul3A_33 : i32
      %add3A_35 = vector.broadcast %add3A_34 : i32 to vector<16xi32>
      %add3A_36 = arith.addi %add3A_35, %iota3A : vector<16xi32>
      %mul3A_37 = arith.constant 128 : i32
      %mul3A_38 = arith.muli %select_n3A, %mul3A_37 : i32
      %mul3A_39 = arith.constant 26 : i32
      %mul3A_40 = arith.muli %mul3A_38, %mul3A_39 : i32
      %mul3A_41 = arith.constant 16 : i32
      %mul3A_42 = arith.muli %sub3A_29, %mul3A_41 : i32
      %add3A_43 = arith.addi %mul3A_40, %mul3A_42 : i32
      %mul3A_44 = arith.constant 0 : i32
      %mul3A_45 = vector.broadcast %mul3A_44 : i32 to vector<16xi32>
      %mul3A_46 = arith.muli %iota3A, %mul3A_45 : vector<16xi32>
      %add3A_47 = arith.constant 0 : i32
      %add3A_48 = vector.broadcast %add3A_47 : i32 to vector<16xi32>
      %add3A_49 = arith.addi %mul3A_46, %add3A_48 : vector<16xi32>
      %gather3A = tpu.vector_load_idx %arg4[%add3A_36, %add3A_49] : memref<512x26xi32, #tpu.memory_space<vmem>>[vector<16xi32>, vector<16xi32>], vector<16xi32>,
      %add3A_50 = arith.constant 0 : i32
      %add3A_51 = arith.addi %add3A_43, %add3A_50 : i32
      %swap3A = arith.index_cast %add3A_51 : i32 to index
      %swap3A_52 = tpu.vector_load %arg5[%swap3A] {strides = array<i32>} : memref<13312xi32, #tpu.memory_space<vmem>>, vector<16xi32>,
      tpu.vector_store %arg5[%swap3A], %gather3A {strides = array<i32>} : memref<13312xi32, #tpu.memory_space<vmem>>, vector<16xi32>,
      %mul3A_53 = arith.constant 0 : i32
      %mul3A_54 = vector.broadcast %mul3A_53 : i32 to vector<16xi32>
      %mul3A_55 = arith.muli %iota3A, %mul3A_54 : vector<16xi32>
      %add3A_56 = arith.constant 1 : i32
      %add3A_57 = vector.broadcast %add3A_56 : i32 to vector<16xi32>
      %add3A_58 = arith.addi %mul3A_55, %add3A_57 : vector<16xi32>
      %gather3A_59 = tpu.vector_load_idx %arg4[%add3A_36, %add3A_58] : memref<512x26xi32, #tpu.memory_space<vmem>>[vector<16xi32>, vector<16xi32>], vector<16xi32>,
      %add3A_60 = arith.constant 128 : i32
      %add3A_61 = arith.addi %add3A_43, %add3A_60 : i32
      %swap3A_62 = arith.index_cast %add3A_61 : i32 to index
      %swap3A_63 = tpu.vector_load %arg5[%swap3A_62] {strides = array<i32>} : memref<13312xi32, #tpu.memory_space<vmem>>, vector<16xi32>,
      tpu.vector_store %arg5[%swap3A_62], %gather3A_59 {strides = array<i32>} : memref<13312xi32, #tpu.memory_space<vmem>>, vector<16xi32>,
      %mul3A_64 = arith.constant 0 : i32
      %mul3A_65 = vector.broadcast %mul3A_64 : i32 to vector<16xi32>
      %mul3A_66 = arith.muli %iota3A, %mul3A_65 : vector<16xi32>
      %add3A_67 = arith.constant 2 : i32
      %add3A_68 = vector.broadcast %add3A_67 : i32 to vector<16xi32>
      %add3A_69 = arith.addi %mul3A_66, %add3A_68 : vector<16xi32>
      %gather3A_70 = tpu.vector_load_idx %arg4[%add3A_36, %add3A_69] : memref<512x26xi32, #tpu.memory_space<vmem>>[vector<16xi32>, vector<16xi32>], vector<16xi32>,
      %add3A_71 = arith.constant 256 : i32
      %add3A_72 = arith.addi %add3A_43, %add3A_71 : i32
      %swap3A_73 = arith.index_cast %add3A_72 : i32 to index
      %swap3A_74 = tpu.vector_load %arg5[%swap3A_73] {strides = array<i32>} : memref<13312xi32, #tpu.memory_space<vmem>>, vector<16xi32>,
      tpu.vector_store %arg5[%swap3A_73], %gather3A_70 {strides = array<i32>} : memref<13312xi32, #tpu.memory_space<vmem>>, vector<16xi32>,
      %mul3A_75 = arith.constant 0 : i32
      %mul3A_76 = vector.broadcast %mul3A_75 : i32 to vector<16xi32>
      %mul3A_77 = arith.muli %iota3A, %mul3A_76 : vector<16xi32>
      %add3A_78 = arith.constant 3 : i32
      %add3A_79 = vector.broadcast %add3A_78 : i32 to vector<16xi32>
      %add3A_80 = arith.addi %mul3A_77, %add3A_79 : vector<16xi32>
      %gather3A_81 = tpu.vector_load_idx %arg4[%add3A_36, %add3A_80] : memref<512x26xi32, #tpu.memory_space<vmem>>[vector<16xi32>, vector<16xi32>], vector<16xi32>,
      %add3A_82 = arith.constant 384 : i32
      %add3A_83 = arith.addi %add3A_43, %add3A_82 : i32
      %swap3A_84 = arith.index_cast %add3A_83 : i32 to index
      %swap3A_85 = tpu.vector_load %arg5[%swap3A_84] {strides = array<i32>} : memref<13312xi32, #tpu.memory_space<vmem>>, vector<16xi32>,
      tpu.vector_store %arg5[%swap3A_84], %gather3A_81 {strides = array<i32>} : memref<13312xi32, #tpu.memory_space<vmem>>, vector<16xi32>,
      %mul3A_86 = arith.constant 0 : i32
      %mul3A_87 = vector.broadcast %mul3A_86 : i32 to vector<16xi32>
      %mul3A_88 = arith.muli %iota3A, %mul3A_87 : vector<16xi32>
      %add3A_89 = arith.constant 4 : i32
      %add3A_90 = vector.broadcast %add3A_89 : i32 to vector<16xi32>
      %add3A_91 = arith.addi %mul3A_88, %add3A_90 : vector<16xi32>
      %gather3A_92 = tpu.vector_load_idx %arg4[%add3A_36, %add3A_91] : memref<512x26xi32, #tpu.memory_space<vmem>>[vector<16xi32>, vector<16xi32>], vector<16xi32>,
      %add3A_93 = arith.constant 512 : i32
      %add3A_94 = arith.addi %add3A_43, %add3A_93 : i32
      %swap3A_95 = arith.index_cast %add3A_94 : i32 to index
      %swap3A_96 = tpu.vector_load %arg5[%swap3A_95] {strides = array<i32>} : memref<13312xi32, #tpu.memory_space<vmem>>, vector<16xi32>,
      tpu.vector_store %arg5[%swap3A_95], %gather3A_92 {strides = array<i32>} : memref<13312xi32, #tpu.memory_space<vmem>>, vector<16xi32>,
      %mul3A_97 = arith.constant 0 : i32
      %mul3A_98 = vector.broadcast %mul3A_97 : i32 to vector<16xi32>
      %mul3A_99 = arith.muli %iota3A, %mul3A_98 : vector<16xi32>
      %add3A_100 = arith.constant 5 : i32
      %add3A_101 = vector.broadcast %add3A_100 : i32 to vector<16xi32>
      %add3A_102 = arith.addi %mul3A_99, %add3A_101 : vector<16xi32>
      %gather3A_103 = tpu.vector_load_idx %arg4[%add3A_36, %add3A_102] : memref<512x26xi32, #tpu.memory_space<vmem>>[vector<16xi32>, vector<16xi32>], vector<16xi32>,
      %add3A_104 = arith.constant 640 : i32
      %add3A_105 = arith.addi %add3A_43, %add3A_104 : i32
      %swap3A_106 = arith.index_cast %add3A_105 : i32 to index
      %swap3A_107 = tpu.vector_load %arg5[%swap3A_106] {strides = array<i32>} : memref<13312xi32, #tpu.memory_space<vmem>>, vector<16xi32>,
      tpu.vector_store %arg5[%swap3A_106], %gather3A_103 {strides = array<i32>} : memref<13312xi32, #tpu.memory_space<vmem>>, vector<16xi32>,
      %mul3A_108 = arith.constant 0 : i32
      %mul3A_109 = vector.broadcast %mul3A_108 : i32 to vector<16xi32>
      %mul3A_110 = arith.muli %iota3A, %mul3A_109 : vector<16xi32>
      %add3A_111 = arith.constant 6 : i32
      %add3A_112 = vector.broadcast %add3A_111 : i32 to vector<16xi32>
      %add3A_113 = arith.addi %mul3A_110, %add3A_112 : vector<16xi32>
      %gather3A_114 = tpu.vector_load_idx %arg4[%add3A_36, %add3A_113] : memref<512x26xi32, #tpu.memory_space<vmem>>[vector<16xi32>, vector<16xi32>], vector<16xi32>,
      %add3A_115 = arith.constant 768 : i32
      %add3A_116 = arith.addi %add3A_43, %add3A_115 : i32
      %swap3A_117 = arith.index_cast %add3A_116 : i32 to index
      %swap3A_118 = tpu.vector_load %arg5[%swap3A_117] {strides = array<i32>} : memref<13312xi32, #tpu.memory_space<vmem>>, vector<16xi32>,
      tpu.vector_store %arg5[%swap3A_117], %gather3A_114 {strides = array<i32>} : memref<13312xi32, #tpu.memory_space<vmem>>, vector<16xi32>,
      %mul3A_119 = arith.constant 0 : i32
      %mul3A_120 = vector.broadcast %mul3A_119 : i32 to vector<16xi32>
      %mul3A_121 = arith.muli %iota3A, %mul3A_120 : vector<16xi32>
      %add3A_122 = arith.constant 7 : i32
      %add3A_123 = vector.broadcast %add3A_122 : i32 to vector<16xi32>
      %add3A_124 = arith.addi %mul3A_121, %add3A_123 : vector<16xi32>
      %gather3A_125 = tpu.vector_load_idx %arg4[%add3A_36, %add3A_124] : memref<512x26xi32, #tpu.memory_space<vmem>>[vector<16xi32>, vector<16xi32>], vector<16xi32>,
      %add3A_126 = arith.constant 896 : i32
      %add3A_127 = arith.addi %add3A_43, %add3A_126 : i32
      %swap3A_128 = arith.index_cast %add3A_127 : i32 to index
      %swap3A_129 = tpu.vector_load %arg5[%swap3A_128] {strides = array<i32>} : memref<13312xi32, #tpu.memory_space<vmem>>, vector<16xi32>,
      tpu.vector_store %arg5[%swap3A_128], %gather3A_125 {strides = array<i32>} : memref<13312xi32, #tpu.memory_space<vmem>>, vector<16xi32>,
      %mul3A_130 = arith.constant 0 : i32
      %mul3A_131 = vector.broadcast %mul3A_130 : i32 to vector<16xi32>
      %mul3A_132 = arith.muli %iota3A, %mul3A_131 : vector<16xi32>
      %add3A_133 = arith.constant 8 : i32
      %add3A_134 = vector.broadcast %add3A_133 : i32 to vector<16xi32>
      %add3A_135 = arith.addi %mul3A_132, %add3A_134 : vector<16xi32>
      %gather3A_136 = tpu.vector_load_idx %arg4[%add3A_36, %add3A_135] : memref<512x26xi32, #tpu.memory_space<vmem>>[vector<16xi32>, vector<16xi32>], vector<16xi32>,
      %add3A_137 = arith.constant 1024 : i32
      %add3A_138 = arith.addi %add3A_43, %add3A_137 : i32
      %swap3A_139 = arith.index_cast %add3A_138 : i32 to index
      %swap3A_140 = tpu.vector_load %arg5[%swap3A_139] {strides = array<i32>} : memref<13312xi32, #tpu.memory_space<vmem>>, vector<16xi32>,
      tpu.vector_store %arg5[%swap3A_139], %gather3A_136 {strides = array<i32>} : memref<13312xi32, #tpu.memory_space<vmem>>, vector<16xi32>,
      %mul3A_141 = arith.constant 0 : i32
      %mul3A_142 = vector.broadcast %mul3A_141 : i32 to vector<16xi32>
      %mul3A_143 = arith.muli %iota3A, %mul3A_142 : vector<16xi32>
      %add3A_144 = arith.constant 9 : i32
      %add3A_145 = vector.broadcast %add3A_144 : i32 to vector<16xi32>
      %add3A_146 = arith.addi %mul3A_143, %add3A_145 : vector<16xi32>
      %gather3A_147 = tpu.vector_load_idx %arg4[%add3A_36, %add3A_146] : memref<512x26xi32, #tpu.memory_space<vmem>>[vector<16xi32>, vector<16xi32>], vector<16xi32>,
      %add3A_148 = arith.constant 1152 : i32
      %add3A_149 = arith.addi %add3A_43, %add3A_148 : i32
      %swap3A_150 = arith.index_cast %add3A_149 : i32 to index
      %swap3A_151 = tpu.vector_load %arg5[%swap3A_150] {strides = array<i32>} : memref<13312xi32, #tpu.memory_space<vmem>>, vector<16xi32>,
      tpu.vector_store %arg5[%swap3A_150], %gather3A_147 {strides = array<i32>} : memref<13312xi32, #tpu.memory_space<vmem>>, vector<16xi32>,
      %mul3A_152 = arith.constant 0 : i32
      %mul3A_153 = vector.broadcast %mul3A_152 : i32 to vector<16xi32>
      %mul3A_154 = arith.muli %iota3A, %mul3A_153 : vector<16xi32>
      %add3A_155 = arith.constant 10 : i32
      %add3A_156 = vector.broadcast %add3A_155 : i32 to vector<16xi32>
      %add3A_157 = arith.addi %mul3A_154, %add3A_156 : vector<16xi32>
      %gather3A_158 = tpu.vector_load_idx %arg4[%add3A_36, %add3A_157] : memref<512x26xi32, #tpu.memory_space<vmem>>[vector<16xi32>, vector<16xi32>], vector<16xi32>,
      %add3A_159 = arith.constant 1280 : i32
      %add3A_160 = arith.addi %add3A_43, %add3A_159 : i32
      %swap3A_161 = arith.index_cast %add3A_160 : i32 to index
      %swap3A_162 = tpu.vector_load %arg5[%swap3A_161] {strides = array<i32>} : memref<13312xi32, #tpu.memory_space<vmem>>, vector<16xi32>,
      tpu.vector_store %arg5[%swap3A_161], %gather3A_158 {strides = array<i32>} : memref<13312xi32, #tpu.memory_space<vmem>>, vector<16xi32>,
      %mul3A_163 = arith.constant 0 : i32
      %mul3A_164 = vector.broadcast %mul3A_163 : i32 to vector<16xi32>
      %mul3A_165 = arith.muli %iota3A, %mul3A_164 : vector<16xi32>
      %add3A_166 = arith.constant 11 : i32
      %add3A_167 = vector.broadcast %add3A_166 : i32 to vector<16xi32>
      %add3A_168 = arith.addi %mul3A_165, %add3A_167 : vector<16xi32>
      %gather3A_169 = tpu.vector_load_idx %arg4[%add3A_36, %add3A_168] : memref<512x26xi32, #tpu.memory_space<vmem>>[vector<16xi32>, vector<16xi32>], vector<16xi32>,
      %add3A_170 = arith.constant 1408 : i32
      %add3A_171 = arith.addi %add3A_43, %add3A_170 : i32
      %swap3A_172 = arith.index_cast %add3A_171 : i32 to index
      %swap3A_173 = tpu.vector_load %arg5[%swap3A_172] {strides = array<i32>} : memref<13312xi32, #tpu.memory_space<vmem>>, vector<16xi32>,
      tpu.vector_store %arg5[%swap3A_172], %gather3A_169 {strides = array<i32>} : memref<13312xi32, #tpu.memory_space<vmem>>, vector<16xi32>,
      %mul3A_174 = arith.constant 0 : i32
      %mul3A_175 = vector.broadcast %mul3A_174 : i32 to vector<16xi32>
      %mul3A_176 = arith.muli %iota3A, %mul3A_175 : vector<16xi32>
      %add3A_177 = arith.constant 12 : i32
      %add3A_178 = vector.broadcast %add3A_177 : i32 to vector<16xi32>
      %add3A_179 = arith.addi %mul3A_176, %add3A_178 : vector<16xi32>
      %gather3A_180 = tpu.vector_load_idx %arg4[%add3A_36, %add3A_179] : memref<512x26xi32, #tpu.memory_space<vmem>>[vector<16xi32>, vector<16xi32>], vector<16xi32>,
      %add3A_181 = arith.constant 1536 : i32
      %add3A_182 = arith.addi %add3A_43, %add3A_181 : i32
      %swap3A_183 = arith.index_cast %add3A_182 : i32 to index
      %swap3A_184 = tpu.vector_load %arg5[%swap3A_183] {strides = array<i32>} : memref<13312xi32, #tpu.memory_space<vmem>>, vector<16xi32>,
      tpu.vector_store %arg5[%swap3A_183], %gather3A_180 {strides = array<i32>} : memref<13312xi32, #tpu.memory_space<vmem>>, vector<16xi32>,
      %mul3A_185 = arith.constant 0 : i32
      %mul3A_186 = vector.broadcast %mul3A_185 : i32 to vector<16xi32>
      %mul3A_187 = arith.muli %iota3A, %mul3A_186 : vector<16xi32>
      %add3A_188 = arith.constant 13 : i32
      %add3A_189 = vector.broadcast %add3A_188 : i32 to vector<16xi32>
      %add3A_190 = arith.addi %mul3A_187, %add3A_189 : vector<16xi32>
      %gather3A_191 = tpu.vector_load_idx %arg4[%add3A_36, %add3A_190] : memref<512x26xi32, #tpu.memory_space<vmem>>[vector<16xi32>, vector<16xi32>], vector<16xi32>,
      %add3A_192 = arith.constant 1664 : i32
      %add3A_193 = arith.addi %add3A_43, %add3A_192 : i32
      %swap3A_194 = arith.index_cast %add3A_193 : i32 to index
      %swap3A_195 = tpu.vector_load %arg5[%swap3A_194] {strides = array<i32>} : memref<13312xi32, #tpu.memory_space<vmem>>, vector<16xi32>,
      tpu.vector_store %arg5[%swap3A_194], %gather3A_191 {strides = array<i32>} : memref<13312xi32, #tpu.memory_space<vmem>>, vector<16xi32>,
      %mul3A_196 = arith.constant 0 : i32
      %mul3A_197 = vector.broadcast %mul3A_196 : i32 to vector<16xi32>
      %mul3A_198 = arith.muli %iota3A, %mul3A_197 : vector<16xi32>
      %add3A_199 = arith.constant 14 : i32
      %add3A_200 = vector.broadcast %add3A_199 : i32 to vector<16xi32>
      %add3A_201 = arith.addi %mul3A_198, %add3A_200 : vector<16xi32>
      %gather3A_202 = tpu.vector_load_idx %arg4[%add3A_36, %add3A_201] : memref<512x26xi32, #tpu.memory_space<vmem>>[vector<16xi32>, vector<16xi32>], vector<16xi32>,
      %add3A_203 = arith.constant 1792 : i32
      %add3A_204 = arith.addi %add3A_43, %add3A_203 : i32
      %swap3A_205 = arith.index_cast %add3A_204 : i32 to index
      %swap3A_206 = tpu.vector_load %arg5[%swap3A_205] {strides = array<i32>} : memref<13312xi32, #tpu.memory_space<vmem>>, vector<16xi32>,
      tpu.vector_store %arg5[%swap3A_205], %gather3A_202 {strides = array<i32>} : memref<13312xi32, #tpu.memory_space<vmem>>, vector<16xi32>,
      %mul3A_207 = arith.constant 0 : i32
      %mul3A_208 = vector.broadcast %mul3A_207 : i32 to vector<16xi32>
      %mul3A_209 = arith.muli %iota3A, %mul3A_208 : vector<16xi32>
      %add3A_210 = arith.constant 15 : i32
      %add3A_211 = vector.broadcast %add3A_210 : i32 to vector<16xi32>
      %add3A_212 = arith.addi %mul3A_209, %add3A_211 : vector<16xi32>
      %gather3A_213 = tpu.vector_load_idx %arg4[%add3A_36, %add3A_212] : memref<512x26xi32, #tpu.memory_space<vmem>>[vector<16xi32>, vector<16xi32>], vector<16xi32>,
      %add3A_214 = arith.constant 1920 : i32
      %add3A_215 = arith.addi %add3A_43, %add3A_214 : i32
      %swap3A_216 = arith.index_cast %add3A_215 : i32 to index
      %swap3A_217 = tpu.vector_load %arg5[%swap3A_216] {strides = array<i32>} : memref<13312xi32, #tpu.memory_space<vmem>>, vector<16xi32>,
      tpu.vector_store %arg5[%swap3A_216], %gather3A_213 {strides = array<i32>} : memref<13312xi32, #tpu.memory_space<vmem>>, vector<16xi32>,
      %mul3A_218 = arith.constant 0 : i32
      %mul3A_219 = vector.broadcast %mul3A_218 : i32 to vector<16xi32>
      %mul3A_220 = arith.muli %iota3A, %mul3A_219 : vector<16xi32>
      %add3A_221 = arith.constant 16 : i32
      %add3A_222 = vector.broadcast %add3A_221 : i32 to vector<16xi32>
      %add3A_223 = arith.addi %mul3A_220, %add3A_222 : vector<16xi32>
      %gather3A_224 = tpu.vector_load_idx %arg4[%add3A_36, %add3A_223] : memref<512x26xi32, #tpu.memory_space<vmem>>[vector<16xi32>, vector<16xi32>], vector<16xi32>,
      %add3A_225 = arith.constant 2048 : i32
      %add3A_226 = arith.addi %add3A_43, %add3A_225 : i32
      %swap3A_227 = arith.index_cast %add3A_226 : i32 to index
      %swap3A_228 = tpu.vector_load %arg5[%swap3A_227] {strides = array<i32>} : memref<13312xi32, #tpu.memory_space<vmem>>, vector<16xi32>,
      tpu.vector_store %arg5[%swap3A_227], %gather3A_224 {strides = array<i32>} : memref<13312xi32, #tpu.memory_space<vmem>>, vector<16xi32>,
      %mul3A_229 = arith.constant 0 : i32
      %mul3A_230 = vector.broadcast %mul3A_229 : i32 to vector<16xi32>
      %mul3A_231 = arith.muli %iota3A, %mul3A_230 : vector<16xi32>
      %add3A_232 = arith.constant 17 : i32
      %add3A_233 = vector.broadcast %add3A_232 : i32 to vector<16xi32>
      %add3A_234 = arith.addi %mul3A_231, %add3A_233 : vector<16xi32>
      %gather3A_235 = tpu.vector_load_idx %arg4[%add3A_36, %add3A_234] : memref<512x26xi32, #tpu.memory_space<vmem>>[vector<16xi32>, vector<16xi32>], vector<16xi32>,
      %add3A_236 = arith.constant 2176 : i32
      %add3A_237 = arith.addi %add3A_43, %add3A_236 : i32
      %swap3A_238 = arith.index_cast %add3A_237 : i32 to index
      %swap3A_239 = tpu.vector_load %arg5[%swap3A_238] {strides = array<i32>} : memref<13312xi32, #tpu.memory_space<vmem>>, vector<16xi32>,
      tpu.vector_store %arg5[%swap3A_238], %gather3A_235 {strides = array<i32>} : memref<13312xi32, #tpu.memory_space<vmem>>, vector<16xi32>,
      %mul3A_240 = arith.constant 0 : i32
      %mul3A_241 = vector.broadcast %mul3A_240 : i32 to vector<16xi32>
      %mul3A_242 = arith.muli %iota3A, %mul3A_241 : vector<16xi32>
      %add3A_243 = arith.constant 18 : i32
      %add3A_244 = vector.broadcast %add3A_243 : i32 to vector<16xi32>
      %add3A_245 = arith.addi %mul3A_242, %add3A_244 : vector<16xi32>
      %gather3A_246 = tpu.vector_load_idx %arg4[%add3A_36, %add3A_245] : memref<512x26xi32, #tpu.memory_space<vmem>>[vector<16xi32>, vector<16xi32>], vector<16xi32>,
      %add3A_247 = arith.constant 2304 : i32
      %add3A_248 = arith.addi %add3A_43, %add3A_247 : i32
      %swap3A_249 = arith.index_cast %add3A_248 : i32 to index
      %swap3A_250 = tpu.vector_load %arg5[%swap3A_249] {strides = array<i32>} : memref<13312xi32, #tpu.memory_space<vmem>>, vector<16xi32>,
      tpu.vector_store %arg5[%swap3A_249], %gather3A_246 {strides = array<i32>} : memref<13312xi32, #tpu.memory_space<vmem>>, vector<16xi32>,
      %mul3A_251 = arith.constant 0 : i32
      %mul3A_252 = vector.broadcast %mul3A_251 : i32 to vector<16xi32>
      %mul3A_253 = arith.muli %iota3A, %mul3A_252 : vector<16xi32>
      %add3A_254 = arith.constant 19 : i32
      %add3A_255 = vector.broadcast %add3A_254 : i32 to vector<16xi32>
      %add3A_256 = arith.addi %mul3A_253, %add3A_255 : vector<16xi32>
      %gather3A_257 = tpu.vector_load_idx %arg4[%add3A_36, %add3A_256] : memref<512x26xi32, #tpu.memory_space<vmem>>[vector<16xi32>, vector<16xi32>], vector<16xi32>,
      %add3A_258 = arith.constant 2432 : i32
      %add3A_259 = arith.addi %add3A_43, %add3A_258 : i32
      %swap3A_260 = arith.index_cast %add3A_259 : i32 to index
      %swap3A_261 = tpu.vector_load %arg5[%swap3A_260] {strides = array<i32>} : memref<13312xi32, #tpu.memory_space<vmem>>, vector<16xi32>,
      tpu.vector_store %arg5[%swap3A_260], %gather3A_257 {strides = array<i32>} : memref<13312xi32, #tpu.memory_space<vmem>>, vector<16xi32>,
      %mul3A_262 = arith.constant 0 : i32
      %mul3A_263 = vector.broadcast %mul3A_262 : i32 to vector<16xi32>
      %mul3A_264 = arith.muli %iota3A, %mul3A_263 : vector<16xi32>
      %add3A_265 = arith.constant 20 : i32
      %add3A_266 = vector.broadcast %add3A_265 : i32 to vector<16xi32>
      %add3A_267 = arith.addi %mul3A_264, %add3A_266 : vector<16xi32>
      %gather3A_268 = tpu.vector_load_idx %arg4[%add3A_36, %add3A_267] : memref<512x26xi32, #tpu.memory_space<vmem>>[vector<16xi32>, vector<16xi32>], vector<16xi32>,
      %add3A_269 = arith.constant 2560 : i32
      %add3A_270 = arith.addi %add3A_43, %add3A_269 : i32
      %swap3A_271 = arith.index_cast %add3A_270 : i32 to index
      %swap3A_272 = tpu.vector_load %arg5[%swap3A_271] {strides = array<i32>} : memref<13312xi32, #tpu.memory_space<vmem>>, vector<16xi32>,
      tpu.vector_store %arg5[%swap3A_271], %gather3A_268 {strides = array<i32>} : memref<13312xi32, #tpu.memory_space<vmem>>, vector<16xi32>,
      %mul3A_273 = arith.constant 0 : i32
      %mul3A_274 = vector.broadcast %mul3A_273 : i32 to vector<16xi32>
      %mul3A_275 = arith.muli %iota3A, %mul3A_274 : vector<16xi32>
      %add3A_276 = arith.constant 21 : i32
      %add3A_277 = vector.broadcast %add3A_276 : i32 to vector<16xi32>
      %add3A_278 = arith.addi %mul3A_275, %add3A_277 : vector<16xi32>
      %gather3A_279 = tpu.vector_load_idx %arg4[%add3A_36, %add3A_278] : memref<512x26xi32, #tpu.memory_space<vmem>>[vector<16xi32>, vector<16xi32>], vector<16xi32>,
      %add3A_280 = arith.constant 2688 : i32
      %add3A_281 = arith.addi %add3A_43, %add3A_280 : i32
      %swap3A_282 = arith.index_cast %add3A_281 : i32 to index
      %swap3A_283 = tpu.vector_load %arg5[%swap3A_282] {strides = array<i32>} : memref<13312xi32, #tpu.memory_space<vmem>>, vector<16xi32>,
      tpu.vector_store %arg5[%swap3A_282], %gather3A_279 {strides = array<i32>} : memref<13312xi32, #tpu.memory_space<vmem>>, vector<16xi32>,
      %mul3A_284 = arith.constant 0 : i32
      %mul3A_285 = vector.broadcast %mul3A_284 : i32 to vector<16xi32>
      %mul3A_286 = arith.muli %iota3A, %mul3A_285 : vector<16xi32>
      %add3A_287 = arith.constant 22 : i32
      %add3A_288 = vector.broadcast %add3A_287 : i32 to vector<16xi32>
      %add3A_289 = arith.addi %mul3A_286, %add3A_288 : vector<16xi32>
      %gather3A_290 = tpu.vector_load_idx %arg4[%add3A_36, %add3A_289] : memref<512x26xi32, #tpu.memory_space<vmem>>[vector<16xi32>, vector<16xi32>], vector<16xi32>,
      %add3A_291 = arith.constant 2816 : i32
      %add3A_292 = arith.addi %add3A_43, %add3A_291 : i32
      %swap3A_293 = arith.index_cast %add3A_292 : i32 to index
      %swap3A_294 = tpu.vector_load %arg5[%swap3A_293] {strides = array<i32>} : memref<13312xi32, #tpu.memory_space<vmem>>, vector<16xi32>,
      tpu.vector_store %arg5[%swap3A_293], %gather3A_290 {strides = array<i32>} : memref<13312xi32, #tpu.memory_space<vmem>>, vector<16xi32>,
      %mul3A_295 = arith.constant 0 : i32
      %mul3A_296 = vector.broadcast %mul3A_295 : i32 to vector<16xi32>
      %mul3A_297 = arith.muli %iota3A, %mul3A_296 : vector<16xi32>
      %add3A_298 = arith.constant 23 : i32
      %add3A_299 = vector.broadcast %add3A_298 : i32 to vector<16xi32>
      %add3A_300 = arith.addi %mul3A_297, %add3A_299 : vector<16xi32>
      %gather3A_301 = tpu.vector_load_idx %arg4[%add3A_36, %add3A_300] : memref<512x26xi32, #tpu.memory_space<vmem>>[vector<16xi32>, vector<16xi32>], vector<16xi32>,
      %add3A_302 = arith.constant 2944 : i32
      %add3A_303 = arith.addi %add3A_43, %add3A_302 : i32
      %swap3A_304 = arith.index_cast %add3A_303 : i32 to index
      %swap3A_305 = tpu.vector_load %arg5[%swap3A_304] {strides = array<i32>} : memref<13312xi32, #tpu.memory_space<vmem>>, vector<16xi32>,
      tpu.vector_store %arg5[%swap3A_304], %gather3A_301 {strides = array<i32>} : memref<13312xi32, #tpu.memory_space<vmem>>, vector<16xi32>,
      %mul3A_306 = arith.constant 0 : i32
      %mul3A_307 = vector.broadcast %mul3A_306 : i32 to vector<16xi32>
      %mul3A_308 = arith.muli %iota3A, %mul3A_307 : vector<16xi32>
      %add3A_309 = arith.constant 24 : i32
      %add3A_310 = vector.broadcast %add3A_309 : i32 to vector<16xi32>
      %add3A_311 = arith.addi %mul3A_308, %add3A_310 : vector<16xi32>
      %gather3A_312 = tpu.vector_load_idx %arg4[%add3A_36, %add3A_311] : memref<512x26xi32, #tpu.memory_space<vmem>>[vector<16xi32>, vector<16xi32>], vector<16xi32>,
      %add3A_313 = arith.constant 3072 : i32
      %add3A_314 = arith.addi %add3A_43, %add3A_313 : i32
      %swap3A_315 = arith.index_cast %add3A_314 : i32 to index
      %swap3A_316 = tpu.vector_load %arg5[%swap3A_315] {strides = array<i32>} : memref<13312xi32, #tpu.memory_space<vmem>>, vector<16xi32>,
      tpu.vector_store %arg5[%swap3A_315], %gather3A_312 {strides = array<i32>} : memref<13312xi32, #tpu.memory_space<vmem>>, vector<16xi32>,
      %mul3A_317 = arith.constant 0 : i32
      %mul3A_318 = vector.broadcast %mul3A_317 : i32 to vector<16xi32>
      %mul3A_319 = arith.muli %iota3A, %mul3A_318 : vector<16xi32>
      %add3A_320 = arith.constant 25 : i32
      %add3A_321 = vector.broadcast %add3A_320 : i32 to vector<16xi32>
      %add3A_322 = arith.addi %mul3A_319, %add3A_321 : vector<16xi32>
      %gather3A_323 = tpu.vector_load_idx %arg4[%add3A_36, %add3A_322] : memref<512x26xi32, #tpu.memory_space<vmem>>[vector<16xi32>, vector<16xi32>], vector<16xi32>,
      %add3A_324 = arith.constant 3200 : i32
      %add3A_325 = arith.addi %add3A_43, %add3A_324 : i32
      %swap3A_326 = arith.index_cast %add3A_325 : i32 to index
      %swap3A_327 = tpu.vector_load %arg5[%swap3A_326] {strides = array<i32>} : memref<13312xi32, #tpu.memory_space<vmem>>, vector<16xi32>,
      tpu.vector_store %arg5[%swap3A_326], %gather3A_323 {strides = array<i32>} : memref<13312xi32, #tpu.memory_space<vmem>>, vector<16xi32>,
    }
    %scan3A_7 = arith.constant 32 : i32
    %mul3A_8 = arith.constant 13312 : i32
    %mul3A_9 = arith.muli %add3A, %mul3A_8 : i32
    "tpu.region"() ({
      %run_scoped3A = tpu.sem_alloc : memref<!tpu.dma_semaphore, #tpu.memory_space<semaphore_mem>>
      %dma_start3A = tpu.memref_slice %arg3[%mul3A_9] : memref<425984xi32, #tpu.memory_space<hbm>> -> memref<13312xi32, #tpu.memory_space<hbm>>
      %dma_start3A_10 = tpu.memref_slice %arg3[%mul3A_9] : memref<425984xi32, #tpu.memory_space<hbm>> -> memref<13312xi32, #tpu.memory_space<hbm>>
      tpu.enqueue_dma source(%arg5 : memref<13312xi32, #tpu.memory_space<vmem>>) target(%dma_start3A_10 : memref<13312xi32, #tpu.memory_space<hbm>>) target_semaphore(%run_scoped3A : memref<!tpu.dma_semaphore, #tpu.memory_space<semaphore_mem>>)
      %dma_wait3A = tpu.memref_slice %arg3[%mul3A_9] : memref<425984xi32, #tpu.memory_space<hbm>> -> memref<13312xi32, #tpu.memory_space<hbm>>
      %dma_wait3A_11 = tpu.memref_slice %arg3[%mul3A_9] : memref<425984xi32, #tpu.memory_space<hbm>> -> memref<13312xi32, #tpu.memory_space<hbm>>
      tpu.wait_dma2 semaphore(%run_scoped3A : memref<!tpu.dma_semaphore, #tpu.memory_space<semaphore_mem>>) src(%arg5 : memref<13312xi32, #tpu.memory_space<vmem>>) dst(%dma_wait3A_11 : memref<13312xi32, #tpu.memory_space<hbm>>)
      tpu.yield
    }) : () -> ()
    return
  }
}

#map = affine_map<(d0, d1) -> (0)>
module attributes {stable_mosaic.version = 14 : i64} {
  func.func @k2(%arg0: i32, %arg1: i32, %arg2: memref<425984xi32, #tpu.memory_space<hbm>>, %arg3: memref<1000000xf32, #tpu.memory_space<hbm>>, %arg4: memref<1xf32, #tpu.memory_space<hbm>>, %arg5: memref<16384xf32, #tpu.memory_space<hbm>>, %arg6: memref<13312xi32, #tpu.memory_space<vmem>>, %arg7: memref<3328xf32, #tpu.memory_space<vmem>>, %arg8: memref<3328xf32, #tpu.memory_space<vmem>>, %arg9: memref<3328xf32, #tpu.memory_space<vmem>>, %arg10: memref<3328xf32, #tpu.memory_space<vmem>>, %arg11: memref<1xf32, #tpu.memory_space<vmem>>, %arg12: memref<512xf32, #tpu.memory_space<vmem>>, %arg13: memref<!tpu.dma_semaphore, #tpu.memory_space<semaphore_mem>>, %arg14: memref<!tpu.dma_semaphore, #tpu.memory_space<semaphore_mem>>, %arg15: memref<!tpu.dma_semaphore, #tpu.memory_space<semaphore_mem>>, %arg16: memref<!tpu.dma_semaphore, #tpu.memory_space<semaphore_mem>>) attributes {dimension_semantics = [#tpu.dimension_semantics<core_parallel>, #tpu.dimension_semantics<subcore_parallel>], iteration_bounds = array<i64: 2, 16>, scalar_prefetch = 0 : i64, scratch_operands = 11 : i64, tpu.core_type = #tpu.core_type<sc_vector_subcore>, window_params = [{transform_indices = #map}, {transform_indices = #map}, {transform_indices = #map}, {transform_indices = #map}]} {
    %mul3A = arith.constant 2 : i32
    %mul3A_0 = arith.muli %arg1, %mul3A : i32
    %add3A = arith.addi %mul3A_0, %arg0 : i32
    %mul3A_1 = arith.constant 13312 : i32
    %mul3A_2 = arith.muli %add3A, %mul3A_1 : i32
    "tpu.region"() ({
      %run_scoped3A = tpu.sem_alloc : memref<!tpu.dma_semaphore, #tpu.memory_space<semaphore_mem>>
      %dma_start3A_61 = tpu.memref_slice %arg2[%mul3A_2] : memref<425984xi32, #tpu.memory_space<hbm>> -> memref<13312xi32, #tpu.memory_space<hbm>>
      %dma_start3A_62 = tpu.memref_slice %arg2[%mul3A_2] : memref<425984xi32, #tpu.memory_space<hbm>> -> memref<13312xi32, #tpu.memory_space<hbm>>
      tpu.enqueue_dma source(%dma_start3A_62 : memref<13312xi32, #tpu.memory_space<hbm>>) target(%arg6 : memref<13312xi32, #tpu.memory_space<vmem>>) target_semaphore(%run_scoped3A : memref<!tpu.dma_semaphore, #tpu.memory_space<semaphore_mem>>)
      %dma_wait3A_63 = tpu.memref_slice %arg2[%mul3A_2] : memref<425984xi32, #tpu.memory_space<hbm>> -> memref<13312xi32, #tpu.memory_space<hbm>>
      %dma_wait3A_64 = tpu.memref_slice %arg2[%mul3A_2] : memref<425984xi32, #tpu.memory_space<hbm>> -> memref<13312xi32, #tpu.memory_space<hbm>>
      tpu.wait_dma2 semaphore(%run_scoped3A : memref<!tpu.dma_semaphore, #tpu.memory_space<semaphore_mem>>) src(%dma_wait3A_64 : memref<13312xi32, #tpu.memory_space<hbm>>) dst(%arg6 : memref<13312xi32, #tpu.memory_space<vmem>>)
      tpu.yield
    }) : () -> ()
    "tpu.region"() ({
      %run_scoped3A = tpu.sem_alloc : memref<!tpu.dma_semaphore, #tpu.memory_space<semaphore_mem>>
      tpu.enqueue_dma source(%arg4 : memref<1xf32, #tpu.memory_space<hbm>>) target(%arg11 : memref<1xf32, #tpu.memory_space<vmem>>) target_semaphore(%run_scoped3A : memref<!tpu.dma_semaphore, #tpu.memory_space<semaphore_mem>>)
      tpu.wait_dma2 semaphore(%run_scoped3A : memref<!tpu.dma_semaphore, #tpu.memory_space<semaphore_mem>>) src(%arg4 : memref<1xf32, #tpu.memory_space<hbm>>) dst(%arg11 : memref<1xf32, #tpu.memory_space<vmem>>)
      tpu.yield
    }) : () -> ()
    %iota3A = tpu.iota {dimensions = array<i32: 0>} : vector<16xi32>
    %mul3A_3 = arith.constant 0 : i32
    %mul3A_4 = vector.broadcast %mul3A_3 : i32 to vector<16xi32>
    %mul3A_5 = arith.muli %iota3A, %mul3A_4 : vector<16xi32>
    %gather3A = tpu.vector_load_idx %arg11[%mul3A_5] : memref<1xf32, #tpu.memory_space<vmem>>[vector<16xi32>], vector<16xf32>,
    %dma_start3A = arith.constant 0 : i32
    %dma_start3A_6 = tpu.memref_slice %arg6[%dma_start3A] : memref<13312xi32, #tpu.memory_space<vmem>> -> memref<3328xi32, #tpu.memory_space<vmem>>
    %dma_start3A_7 = arith.constant 0 : i32
    %dma_start3A_8 = tpu.memref_slice %arg3[%dma_start3A_7] : memref<1000000xf32, #tpu.memory_space<hbm>> -> memref<1000000xf32, #tpu.memory_space<hbm>>
    tpu.enqueue_indirect_dma source(%dma_start3A_8 : memref<1000000xf32, #tpu.memory_space<hbm>>) target(%arg7 : memref<3328xf32, #tpu.memory_space<vmem>>) offsets(%dma_start3A_6 : memref<3328xi32, #tpu.memory_space<vmem>>) semaphore(%arg13 : memref<!tpu.dma_semaphore, #tpu.memory_space<semaphore_mem>>)
    %dma_start3A_9 = arith.constant 3328 : i32
    %dma_start3A_10 = tpu.memref_slice %arg6[%dma_start3A_9] : memref<13312xi32, #tpu.memory_space<vmem>> -> memref<3328xi32, #tpu.memory_space<vmem>>
    %dma_start3A_11 = arith.constant 0 : i32
    %dma_start3A_12 = tpu.memref_slice %arg3[%dma_start3A_11] : memref<1000000xf32, #tpu.memory_space<hbm>> -> memref<1000000xf32, #tpu.memory_space<hbm>>
    tpu.enqueue_indirect_dma source(%dma_start3A_12 : memref<1000000xf32, #tpu.memory_space<hbm>>) target(%arg8 : memref<3328xf32, #tpu.memory_space<vmem>>) offsets(%dma_start3A_10 : memref<3328xi32, #tpu.memory_space<vmem>>) semaphore(%arg14 : memref<!tpu.dma_semaphore, #tpu.memory_space<semaphore_mem>>)
    %dma_start3A_13 = arith.constant 6656 : i32
    %dma_start3A_14 = tpu.memref_slice %arg6[%dma_start3A_13] : memref<13312xi32, #tpu.memory_space<vmem>> -> memref<3328xi32, #tpu.memory_space<vmem>>
    %dma_start3A_15 = arith.constant 0 : i32
    %dma_start3A_16 = tpu.memref_slice %arg3[%dma_start3A_15] : memref<1000000xf32, #tpu.memory_space<hbm>> -> memref<1000000xf32, #tpu.memory_space<hbm>>
    tpu.enqueue_indirect_dma source(%dma_start3A_16 : memref<1000000xf32, #tpu.memory_space<hbm>>) target(%arg9 : memref<3328xf32, #tpu.memory_space<vmem>>) offsets(%dma_start3A_14 : memref<3328xi32, #tpu.memory_space<vmem>>) semaphore(%arg15 : memref<!tpu.dma_semaphore, #tpu.memory_space<semaphore_mem>>)
    %dma_start3A_17 = arith.constant 9984 : i32
    %dma_start3A_18 = tpu.memref_slice %arg6[%dma_start3A_17] : memref<13312xi32, #tpu.memory_space<vmem>> -> memref<3328xi32, #tpu.memory_space<vmem>>
    %dma_start3A_19 = arith.constant 0 : i32
    %dma_start3A_20 = tpu.memref_slice %arg3[%dma_start3A_19] : memref<1000000xf32, #tpu.memory_space<hbm>> -> memref<1000000xf32, #tpu.memory_space<hbm>>
    tpu.enqueue_indirect_dma source(%dma_start3A_20 : memref<1000000xf32, #tpu.memory_space<hbm>>) target(%arg10 : memref<3328xf32, #tpu.memory_space<vmem>>) offsets(%dma_start3A_18 : memref<3328xi32, #tpu.memory_space<vmem>>) semaphore(%arg16 : memref<!tpu.dma_semaphore, #tpu.memory_space<semaphore_mem>>)
    %dma_wait3A = arith.constant 0 : i32
    %dma_wait3A_21 = tpu.memref_slice %arg6[%dma_wait3A] : memref<13312xi32, #tpu.memory_space<vmem>> -> memref<3328xi32, #tpu.memory_space<vmem>>
    %dma_wait3A_22 = arith.constant 0 : i32
    %dma_wait3A_23 = tpu.memref_slice %arg3[%dma_wait3A_22] : memref<1000000xf32, #tpu.memory_space<hbm>> -> memref<1000000xf32, #tpu.memory_space<hbm>>
    tpu.wait_indirect_dma semaphore(%arg13 : memref<!tpu.dma_semaphore, #tpu.memory_space<semaphore_mem>>) src(%dma_wait3A_23 : memref<1000000xf32, #tpu.memory_space<hbm>>) dst(%arg7 : memref<3328xf32, #tpu.memory_space<vmem>>)
    %scan3A = arith.constant 0 : i32
    %scan3A_24 = arith.constant 0 : i32
    %scan3A_25 = arith.constant 8 : i32
    %scan3A_26 = arith.addi %scan3A_24, %scan3A_25 : i32
    %scan3A_27 = arith.constant 1 : i32
    scf.for %scan3A_61 = %scan3A_24 to %scan3A_26 step %scan3A_27  : i32 {
      %mul3A_62 = arith.constant 16 : i32
      %mul3A_63 = arith.muli %scan3A_61, %mul3A_62 : i32
      %add3A_64 = arith.constant 0 : i32
      %add3A_65 = arith.addi %add3A_64, %mul3A_63 : i32
      %get3A = arith.index_cast %add3A_65 : i32 to index
      %get3A_66 = tpu.vector_load %arg7[%get3A] {strides = array<i32>} : memref<3328xf32, #tpu.memory_space<vmem>>, vector<16xf32>,
      %add3A_67 = arith.addf %gather3A, %get3A_66 : vector<16xf32>
      %mul3A_68 = arith.constant 16 : i32
      %mul3A_69 = arith.muli %scan3A_61, %mul3A_68 : i32
      %add3A_70 = arith.constant 128 : i32
      %add3A_71 = arith.addi %add3A_70, %mul3A_69 : i32
      %get3A_72 = arith.index_cast %add3A_71 : i32 to index
      %get3A_73 = tpu.vector_load %arg7[%get3A_72] {strides = array<i32>} : memref<3328xf32, #tpu.memory_space<vmem>>, vector<16xf32>,
      %add3A_74 = arith.addf %add3A_67, %get3A_73 : vector<16xf32>
      %mul3A_75 = arith.constant 16 : i32
      %mul3A_76 = arith.muli %scan3A_61, %mul3A_75 : i32
      %add3A_77 = arith.constant 256 : i32
      %add3A_78 = arith.addi %add3A_77, %mul3A_76 : i32
      %get3A_79 = arith.index_cast %add3A_78 : i32 to index
      %get3A_80 = tpu.vector_load %arg7[%get3A_79] {strides = array<i32>} : memref<3328xf32, #tpu.memory_space<vmem>>, vector<16xf32>,
      %add3A_81 = arith.addf %add3A_74, %get3A_80 : vector<16xf32>
      %mul3A_82 = arith.constant 16 : i32
      %mul3A_83 = arith.muli %scan3A_61, %mul3A_82 : i32
      %add3A_84 = arith.constant 384 : i32
      %add3A_85 = arith.addi %add3A_84, %mul3A_83 : i32
      %get3A_86 = arith.index_cast %add3A_85 : i32 to index
      %get3A_87 = tpu.vector_load %arg7[%get3A_86] {strides = array<i32>} : memref<3328xf32, #tpu.memory_space<vmem>>, vector<16xf32>,
      %add3A_88 = arith.addf %add3A_81, %get3A_87 : vector<16xf32>
      %mul3A_89 = arith.constant 16 : i32
      %mul3A_90 = arith.muli %scan3A_61, %mul3A_89 : i32
      %add3A_91 = arith.constant 512 : i32
      %add3A_92 = arith.addi %add3A_91, %mul3A_90 : i32
      %get3A_93 = arith.index_cast %add3A_92 : i32 to index
      %get3A_94 = tpu.vector_load %arg7[%get3A_93] {strides = array<i32>} : memref<3328xf32, #tpu.memory_space<vmem>>, vector<16xf32>,
      %add3A_95 = arith.addf %add3A_88, %get3A_94 : vector<16xf32>
      %mul3A_96 = arith.constant 16 : i32
      %mul3A_97 = arith.muli %scan3A_61, %mul3A_96 : i32
      %add3A_98 = arith.constant 640 : i32
      %add3A_99 = arith.addi %add3A_98, %mul3A_97 : i32
      %get3A_100 = arith.index_cast %add3A_99 : i32 to index
      %get3A_101 = tpu.vector_load %arg7[%get3A_100] {strides = array<i32>} : memref<3328xf32, #tpu.memory_space<vmem>>, vector<16xf32>,
      %add3A_102 = arith.addf %add3A_95, %get3A_101 : vector<16xf32>
      %mul3A_103 = arith.constant 16 : i32
      %mul3A_104 = arith.muli %scan3A_61, %mul3A_103 : i32
      %add3A_105 = arith.constant 768 : i32
      %add3A_106 = arith.addi %add3A_105, %mul3A_104 : i32
      %get3A_107 = arith.index_cast %add3A_106 : i32 to index
      %get3A_108 = tpu.vector_load %arg7[%get3A_107] {strides = array<i32>} : memref<3328xf32, #tpu.memory_space<vmem>>, vector<16xf32>,
      %add3A_109 = arith.addf %add3A_102, %get3A_108 : vector<16xf32>
      %mul3A_110 = arith.constant 16 : i32
      %mul3A_111 = arith.muli %scan3A_61, %mul3A_110 : i32
      %add3A_112 = arith.constant 896 : i32
      %add3A_113 = arith.addi %add3A_112, %mul3A_111 : i32
      %get3A_114 = arith.index_cast %add3A_113 : i32 to index
      %get3A_115 = tpu.vector_load %arg7[%get3A_114] {strides = array<i32>} : memref<3328xf32, #tpu.memory_space<vmem>>, vector<16xf32>,
      %add3A_116 = arith.addf %add3A_109, %get3A_115 : vector<16xf32>
      %mul3A_117 = arith.constant 16 : i32
      %mul3A_118 = arith.muli %scan3A_61, %mul3A_117 : i32
      %add3A_119 = arith.constant 1024 : i32
      %add3A_120 = arith.addi %add3A_119, %mul3A_118 : i32
      %get3A_121 = arith.index_cast %add3A_120 : i32 to index
      %get3A_122 = tpu.vector_load %arg7[%get3A_121] {strides = array<i32>} : memref<3328xf32, #tpu.memory_space<vmem>>, vector<16xf32>,
      %add3A_123 = arith.addf %add3A_116, %get3A_122 : vector<16xf32>
      %mul3A_124 = arith.constant 16 : i32
      %mul3A_125 = arith.muli %scan3A_61, %mul3A_124 : i32
      %add3A_126 = arith.constant 1152 : i32
      %add3A_127 = arith.addi %add3A_126, %mul3A_125 : i32
      %get3A_128 = arith.index_cast %add3A_127 : i32 to index
      %get3A_129 = tpu.vector_load %arg7[%get3A_128] {strides = array<i32>} : memref<3328xf32, #tpu.memory_space<vmem>>, vector<16xf32>,
      %add3A_130 = arith.addf %add3A_123, %get3A_129 : vector<16xf32>
      %mul3A_131 = arith.constant 16 : i32
      %mul3A_132 = arith.muli %scan3A_61, %mul3A_131 : i32
      %add3A_133 = arith.constant 1280 : i32
      %add3A_134 = arith.addi %add3A_133, %mul3A_132 : i32
      %get3A_135 = arith.index_cast %add3A_134 : i32 to index
      %get3A_136 = tpu.vector_load %arg7[%get3A_135] {strides = array<i32>} : memref<3328xf32, #tpu.memory_space<vmem>>, vector<16xf32>,
      %add3A_137 = arith.addf %add3A_130, %get3A_136 : vector<16xf32>
      %mul3A_138 = arith.constant 16 : i32
      %mul3A_139 = arith.muli %scan3A_61, %mul3A_138 : i32
      %add3A_140 = arith.constant 1408 : i32
      %add3A_141 = arith.addi %add3A_140, %mul3A_139 : i32
      %get3A_142 = arith.index_cast %add3A_141 : i32 to index
      %get3A_143 = tpu.vector_load %arg7[%get3A_142] {strides = array<i32>} : memref<3328xf32, #tpu.memory_space<vmem>>, vector<16xf32>,
      %add3A_144 = arith.addf %add3A_137, %get3A_143 : vector<16xf32>
      %mul3A_145 = arith.constant 16 : i32
      %mul3A_146 = arith.muli %scan3A_61, %mul3A_145 : i32
      %add3A_147 = arith.constant 1536 : i32
      %add3A_148 = arith.addi %add3A_147, %mul3A_146 : i32
      %get3A_149 = arith.index_cast %add3A_148 : i32 to index
      %get3A_150 = tpu.vector_load %arg7[%get3A_149] {strides = array<i32>} : memref<3328xf32, #tpu.memory_space<vmem>>, vector<16xf32>,
      %add3A_151 = arith.addf %add3A_144, %get3A_150 : vector<16xf32>
      %mul3A_152 = arith.constant 16 : i32
      %mul3A_153 = arith.muli %scan3A_61, %mul3A_152 : i32
      %add3A_154 = arith.constant 1664 : i32
      %add3A_155 = arith.addi %add3A_154, %mul3A_153 : i32
      %get3A_156 = arith.index_cast %add3A_155 : i32 to index
      %get3A_157 = tpu.vector_load %arg7[%get3A_156] {strides = array<i32>} : memref<3328xf32, #tpu.memory_space<vmem>>, vector<16xf32>,
      %add3A_158 = arith.addf %add3A_151, %get3A_157 : vector<16xf32>
      %mul3A_159 = arith.constant 16 : i32
      %mul3A_160 = arith.muli %scan3A_61, %mul3A_159 : i32
      %add3A_161 = arith.constant 1792 : i32
      %add3A_162 = arith.addi %add3A_161, %mul3A_160 : i32
      %get3A_163 = arith.index_cast %add3A_162 : i32 to index
      %get3A_164 = tpu.vector_load %arg7[%get3A_163] {strides = array<i32>} : memref<3328xf32, #tpu.memory_space<vmem>>, vector<16xf32>,
      %add3A_165 = arith.addf %add3A_158, %get3A_164 : vector<16xf32>
      %mul3A_166 = arith.constant 16 : i32
      %mul3A_167 = arith.muli %scan3A_61, %mul3A_166 : i32
      %add3A_168 = arith.constant 1920 : i32
      %add3A_169 = arith.addi %add3A_168, %mul3A_167 : i32
      %get3A_170 = arith.index_cast %add3A_169 : i32 to index
      %get3A_171 = tpu.vector_load %arg7[%get3A_170] {strides = array<i32>} : memref<3328xf32, #tpu.memory_space<vmem>>, vector<16xf32>,
      %add3A_172 = arith.addf %add3A_165, %get3A_171 : vector<16xf32>
      %mul3A_173 = arith.constant 16 : i32
      %mul3A_174 = arith.muli %scan3A_61, %mul3A_173 : i32
      %add3A_175 = arith.constant 2048 : i32
      %add3A_176 = arith.addi %add3A_175, %mul3A_174 : i32
      %get3A_177 = arith.index_cast %add3A_176 : i32 to index
      %get3A_178 = tpu.vector_load %arg7[%get3A_177] {strides = array<i32>} : memref<3328xf32, #tpu.memory_space<vmem>>, vector<16xf32>,
      %add3A_179 = arith.addf %add3A_172, %get3A_178 : vector<16xf32>
      %mul3A_180 = arith.constant 16 : i32
      %mul3A_181 = arith.muli %scan3A_61, %mul3A_180 : i32
      %add3A_182 = arith.constant 2176 : i32
      %add3A_183 = arith.addi %add3A_182, %mul3A_181 : i32
      %get3A_184 = arith.index_cast %add3A_183 : i32 to index
      %get3A_185 = tpu.vector_load %arg7[%get3A_184] {strides = array<i32>} : memref<3328xf32, #tpu.memory_space<vmem>>, vector<16xf32>,
      %add3A_186 = arith.addf %add3A_179, %get3A_185 : vector<16xf32>
      %mul3A_187 = arith.constant 16 : i32
      %mul3A_188 = arith.muli %scan3A_61, %mul3A_187 : i32
      %add3A_189 = arith.constant 2304 : i32
      %add3A_190 = arith.addi %add3A_189, %mul3A_188 : i32
      %get3A_191 = arith.index_cast %add3A_190 : i32 to index
      %get3A_192 = tpu.vector_load %arg7[%get3A_191] {strides = array<i32>} : memref<3328xf32, #tpu.memory_space<vmem>>, vector<16xf32>,
      %add3A_193 = arith.addf %add3A_186, %get3A_192 : vector<16xf32>
      %mul3A_194 = arith.constant 16 : i32
      %mul3A_195 = arith.muli %scan3A_61, %mul3A_194 : i32
      %add3A_196 = arith.constant 2432 : i32
      %add3A_197 = arith.addi %add3A_196, %mul3A_195 : i32
      %get3A_198 = arith.index_cast %add3A_197 : i32 to index
      %get3A_199 = tpu.vector_load %arg7[%get3A_198] {strides = array<i32>} : memref<3328xf32, #tpu.memory_space<vmem>>, vector<16xf32>,
      %add3A_200 = arith.addf %add3A_193, %get3A_199 : vector<16xf32>
      %mul3A_201 = arith.constant 16 : i32
      %mul3A_202 = arith.muli %scan3A_61, %mul3A_201 : i32
      %add3A_203 = arith.constant 2560 : i32
      %add3A_204 = arith.addi %add3A_203, %mul3A_202 : i32
      %get3A_205 = arith.index_cast %add3A_204 : i32 to index
      %get3A_206 = tpu.vector_load %arg7[%get3A_205] {strides = array<i32>} : memref<3328xf32, #tpu.memory_space<vmem>>, vector<16xf32>,
      %add3A_207 = arith.addf %add3A_200, %get3A_206 : vector<16xf32>
      %mul3A_208 = arith.constant 16 : i32
      %mul3A_209 = arith.muli %scan3A_61, %mul3A_208 : i32
      %add3A_210 = arith.constant 2688 : i32
      %add3A_211 = arith.addi %add3A_210, %mul3A_209 : i32
      %get3A_212 = arith.index_cast %add3A_211 : i32 to index
      %get3A_213 = tpu.vector_load %arg7[%get3A_212] {strides = array<i32>} : memref<3328xf32, #tpu.memory_space<vmem>>, vector<16xf32>,
      %add3A_214 = arith.addf %add3A_207, %get3A_213 : vector<16xf32>
      %mul3A_215 = arith.constant 16 : i32
      %mul3A_216 = arith.muli %scan3A_61, %mul3A_215 : i32
      %add3A_217 = arith.constant 2816 : i32
      %add3A_218 = arith.addi %add3A_217, %mul3A_216 : i32
      %get3A_219 = arith.index_cast %add3A_218 : i32 to index
      %get3A_220 = tpu.vector_load %arg7[%get3A_219] {strides = array<i32>} : memref<3328xf32, #tpu.memory_space<vmem>>, vector<16xf32>,
      %add3A_221 = arith.addf %add3A_214, %get3A_220 : vector<16xf32>
      %mul3A_222 = arith.constant 16 : i32
      %mul3A_223 = arith.muli %scan3A_61, %mul3A_222 : i32
      %add3A_224 = arith.constant 2944 : i32
      %add3A_225 = arith.addi %add3A_224, %mul3A_223 : i32
      %get3A_226 = arith.index_cast %add3A_225 : i32 to index
      %get3A_227 = tpu.vector_load %arg7[%get3A_226] {strides = array<i32>} : memref<3328xf32, #tpu.memory_space<vmem>>, vector<16xf32>,
      %add3A_228 = arith.addf %add3A_221, %get3A_227 : vector<16xf32>
      %mul3A_229 = arith.constant 16 : i32
      %mul3A_230 = arith.muli %scan3A_61, %mul3A_229 : i32
      %add3A_231 = arith.constant 3072 : i32
      %add3A_232 = arith.addi %add3A_231, %mul3A_230 : i32
      %get3A_233 = arith.index_cast %add3A_232 : i32 to index
      %get3A_234 = tpu.vector_load %arg7[%get3A_233] {strides = array<i32>} : memref<3328xf32, #tpu.memory_space<vmem>>, vector<16xf32>,
      %add3A_235 = arith.addf %add3A_228, %get3A_234 : vector<16xf32>
      %mul3A_236 = arith.constant 16 : i32
      %mul3A_237 = arith.muli %scan3A_61, %mul3A_236 : i32
      %add3A_238 = arith.constant 3200 : i32
      %add3A_239 = arith.addi %add3A_238, %mul3A_237 : i32
      %get3A_240 = arith.index_cast %add3A_239 : i32 to index
      %get3A_241 = tpu.vector_load %arg7[%get3A_240] {strides = array<i32>} : memref<3328xf32, #tpu.memory_space<vmem>>, vector<16xf32>,
      %add3A_242 = arith.addf %add3A_235, %get3A_241 : vector<16xf32>
      %neg3A = arith.constant 0.000000e+00 : f32
      %neg3A_243 = vector.broadcast %neg3A : f32 to vector<16xf32>
      %neg3A_244 = arith.subf %neg3A_243, %add3A_242 : vector<16xf32>
      %exp3A = math.exp %neg3A_244 : vector<16xf32>
      %add3A_245 = arith.constant 1.000000e+00 : f32
      %add3A_246 = vector.broadcast %add3A_245 : f32 to vector<16xf32>
      %add3A_247 = arith.addf %add3A_246, %exp3A : vector<16xf32>
      %div3A = arith.constant 1.000000e+00 : f32
      %div3A_248 = vector.broadcast %div3A : f32 to vector<16xf32>
      %div3A_249 = arith.divf %div3A_248, %add3A_247 : vector<16xf32>
      %mul3A_250 = arith.constant 16 : i32
      %mul3A_251 = arith.muli %scan3A_61, %mul3A_250 : i32
      %add3A_252 = arith.constant 0 : i32
      %add3A_253 = arith.addi %add3A_252, %mul3A_251 : i32
      %swap3A = arith.index_cast %add3A_253 : i32 to index
      %swap3A_254 = tpu.vector_load %arg12[%swap3A] {strides = array<i32>} : memref<512xf32, #tpu.memory_space<vmem>>, vector<16xf32>,
      tpu.vector_store %arg12[%swap3A], %div3A_249 {strides = array<i32>} : memref<512xf32, #tpu.memory_space<vmem>>, vector<16xf32>,
    }
    %scan3A_28 = arith.constant 8 : i32
    %dma_wait3A_29 = arith.constant 3328 : i32
    %dma_wait3A_30 = tpu.memref_slice %arg6[%dma_wait3A_29] : memref<13312xi32, #tpu.memory_space<vmem>> -> memref<3328xi32, #tpu.memory_space<vmem>>
    %dma_wait3A_31 = arith.constant 0 : i32
    %dma_wait3A_32 = tpu.memref_slice %arg3[%dma_wait3A_31] : memref<1000000xf32, #tpu.memory_space<hbm>> -> memref<1000000xf32, #tpu.memory_space<hbm>>
    tpu.wait_indirect_dma semaphore(%arg14 : memref<!tpu.dma_semaphore, #tpu.memory_space<semaphore_mem>>) src(%dma_wait3A_32 : memref<1000000xf32, #tpu.memory_space<hbm>>) dst(%arg8 : memref<3328xf32, #tpu.memory_space<vmem>>)
    %scan3A_33 = arith.constant 0 : i32
    %scan3A_34 = arith.constant 0 : i32
    %scan3A_35 = arith.constant 8 : i32
    %scan3A_36 = arith.addi %scan3A_34, %scan3A_35 : i32
    %scan3A_37 = arith.constant 1 : i32
    scf.for %scan3A_61 = %scan3A_34 to %scan3A_36 step %scan3A_37  : i32 {
      %mul3A_62 = arith.constant 16 : i32
      %mul3A_63 = arith.muli %scan3A_61, %mul3A_62 : i32
      %add3A_64 = arith.constant 0 : i32
      %add3A_65 = arith.addi %add3A_64, %mul3A_63 : i32
      %get3A = arith.index_cast %add3A_65 : i32 to index
      %get3A_66 = tpu.vector_load %arg8[%get3A] {strides = array<i32>} : memref<3328xf32, #tpu.memory_space<vmem>>, vector<16xf32>,
      %add3A_67 = arith.addf %gather3A, %get3A_66 : vector<16xf32>
      %mul3A_68 = arith.constant 16 : i32
      %mul3A_69 = arith.muli %scan3A_61, %mul3A_68 : i32
      %add3A_70 = arith.constant 128 : i32
      %add3A_71 = arith.addi %add3A_70, %mul3A_69 : i32
      %get3A_72 = arith.index_cast %add3A_71 : i32 to index
      %get3A_73 = tpu.vector_load %arg8[%get3A_72] {strides = array<i32>} : memref<3328xf32, #tpu.memory_space<vmem>>, vector<16xf32>,
      %add3A_74 = arith.addf %add3A_67, %get3A_73 : vector<16xf32>
      %mul3A_75 = arith.constant 16 : i32
      %mul3A_76 = arith.muli %scan3A_61, %mul3A_75 : i32
      %add3A_77 = arith.constant 256 : i32
      %add3A_78 = arith.addi %add3A_77, %mul3A_76 : i32
      %get3A_79 = arith.index_cast %add3A_78 : i32 to index
      %get3A_80 = tpu.vector_load %arg8[%get3A_79] {strides = array<i32>} : memref<3328xf32, #tpu.memory_space<vmem>>, vector<16xf32>,
      %add3A_81 = arith.addf %add3A_74, %get3A_80 : vector<16xf32>
      %mul3A_82 = arith.constant 16 : i32
      %mul3A_83 = arith.muli %scan3A_61, %mul3A_82 : i32
      %add3A_84 = arith.constant 384 : i32
      %add3A_85 = arith.addi %add3A_84, %mul3A_83 : i32
      %get3A_86 = arith.index_cast %add3A_85 : i32 to index
      %get3A_87 = tpu.vector_load %arg8[%get3A_86] {strides = array<i32>} : memref<3328xf32, #tpu.memory_space<vmem>>, vector<16xf32>,
      %add3A_88 = arith.addf %add3A_81, %get3A_87 : vector<16xf32>
      %mul3A_89 = arith.constant 16 : i32
      %mul3A_90 = arith.muli %scan3A_61, %mul3A_89 : i32
      %add3A_91 = arith.constant 512 : i32
      %add3A_92 = arith.addi %add3A_91, %mul3A_90 : i32
      %get3A_93 = arith.index_cast %add3A_92 : i32 to index
      %get3A_94 = tpu.vector_load %arg8[%get3A_93] {strides = array<i32>} : memref<3328xf32, #tpu.memory_space<vmem>>, vector<16xf32>,
      %add3A_95 = arith.addf %add3A_88, %get3A_94 : vector<16xf32>
      %mul3A_96 = arith.constant 16 : i32
      %mul3A_97 = arith.muli %scan3A_61, %mul3A_96 : i32
      %add3A_98 = arith.constant 640 : i32
      %add3A_99 = arith.addi %add3A_98, %mul3A_97 : i32
      %get3A_100 = arith.index_cast %add3A_99 : i32 to index
      %get3A_101 = tpu.vector_load %arg8[%get3A_100] {strides = array<i32>} : memref<3328xf32, #tpu.memory_space<vmem>>, vector<16xf32>,
      %add3A_102 = arith.addf %add3A_95, %get3A_101 : vector<16xf32>
      %mul3A_103 = arith.constant 16 : i32
      %mul3A_104 = arith.muli %scan3A_61, %mul3A_103 : i32
      %add3A_105 = arith.constant 768 : i32
      %add3A_106 = arith.addi %add3A_105, %mul3A_104 : i32
      %get3A_107 = arith.index_cast %add3A_106 : i32 to index
      %get3A_108 = tpu.vector_load %arg8[%get3A_107] {strides = array<i32>} : memref<3328xf32, #tpu.memory_space<vmem>>, vector<16xf32>,
      %add3A_109 = arith.addf %add3A_102, %get3A_108 : vector<16xf32>
      %mul3A_110 = arith.constant 16 : i32
      %mul3A_111 = arith.muli %scan3A_61, %mul3A_110 : i32
      %add3A_112 = arith.constant 896 : i32
      %add3A_113 = arith.addi %add3A_112, %mul3A_111 : i32
      %get3A_114 = arith.index_cast %add3A_113 : i32 to index
      %get3A_115 = tpu.vector_load %arg8[%get3A_114] {strides = array<i32>} : memref<3328xf32, #tpu.memory_space<vmem>>, vector<16xf32>,
      %add3A_116 = arith.addf %add3A_109, %get3A_115 : vector<16xf32>
      %mul3A_117 = arith.constant 16 : i32
      %mul3A_118 = arith.muli %scan3A_61, %mul3A_117 : i32
      %add3A_119 = arith.constant 1024 : i32
      %add3A_120 = arith.addi %add3A_119, %mul3A_118 : i32
      %get3A_121 = arith.index_cast %add3A_120 : i32 to index
      %get3A_122 = tpu.vector_load %arg8[%get3A_121] {strides = array<i32>} : memref<3328xf32, #tpu.memory_space<vmem>>, vector<16xf32>,
      %add3A_123 = arith.addf %add3A_116, %get3A_122 : vector<16xf32>
      %mul3A_124 = arith.constant 16 : i32
      %mul3A_125 = arith.muli %scan3A_61, %mul3A_124 : i32
      %add3A_126 = arith.constant 1152 : i32
      %add3A_127 = arith.addi %add3A_126, %mul3A_125 : i32
      %get3A_128 = arith.index_cast %add3A_127 : i32 to index
      %get3A_129 = tpu.vector_load %arg8[%get3A_128] {strides = array<i32>} : memref<3328xf32, #tpu.memory_space<vmem>>, vector<16xf32>,
      %add3A_130 = arith.addf %add3A_123, %get3A_129 : vector<16xf32>
      %mul3A_131 = arith.constant 16 : i32
      %mul3A_132 = arith.muli %scan3A_61, %mul3A_131 : i32
      %add3A_133 = arith.constant 1280 : i32
      %add3A_134 = arith.addi %add3A_133, %mul3A_132 : i32
      %get3A_135 = arith.index_cast %add3A_134 : i32 to index
      %get3A_136 = tpu.vector_load %arg8[%get3A_135] {strides = array<i32>} : memref<3328xf32, #tpu.memory_space<vmem>>, vector<16xf32>,
      %add3A_137 = arith.addf %add3A_130, %get3A_136 : vector<16xf32>
      %mul3A_138 = arith.constant 16 : i32
      %mul3A_139 = arith.muli %scan3A_61, %mul3A_138 : i32
      %add3A_140 = arith.constant 1408 : i32
      %add3A_141 = arith.addi %add3A_140, %mul3A_139 : i32
      %get3A_142 = arith.index_cast %add3A_141 : i32 to index
      %get3A_143 = tpu.vector_load %arg8[%get3A_142] {strides = array<i32>} : memref<3328xf32, #tpu.memory_space<vmem>>, vector<16xf32>,
      %add3A_144 = arith.addf %add3A_137, %get3A_143 : vector<16xf32>
      %mul3A_145 = arith.constant 16 : i32
      %mul3A_146 = arith.muli %scan3A_61, %mul3A_145 : i32
      %add3A_147 = arith.constant 1536 : i32
      %add3A_148 = arith.addi %add3A_147, %mul3A_146 : i32
      %get3A_149 = arith.index_cast %add3A_148 : i32 to index
      %get3A_150 = tpu.vector_load %arg8[%get3A_149] {strides = array<i32>} : memref<3328xf32, #tpu.memory_space<vmem>>, vector<16xf32>,
      %add3A_151 = arith.addf %add3A_144, %get3A_150 : vector<16xf32>
      %mul3A_152 = arith.constant 16 : i32
      %mul3A_153 = arith.muli %scan3A_61, %mul3A_152 : i32
      %add3A_154 = arith.constant 1664 : i32
      %add3A_155 = arith.addi %add3A_154, %mul3A_153 : i32
      %get3A_156 = arith.index_cast %add3A_155 : i32 to index
      %get3A_157 = tpu.vector_load %arg8[%get3A_156] {strides = array<i32>} : memref<3328xf32, #tpu.memory_space<vmem>>, vector<16xf32>,
      %add3A_158 = arith.addf %add3A_151, %get3A_157 : vector<16xf32>
      %mul3A_159 = arith.constant 16 : i32
      %mul3A_160 = arith.muli %scan3A_61, %mul3A_159 : i32
      %add3A_161 = arith.constant 1792 : i32
      %add3A_162 = arith.addi %add3A_161, %mul3A_160 : i32
      %get3A_163 = arith.index_cast %add3A_162 : i32 to index
      %get3A_164 = tpu.vector_load %arg8[%get3A_163] {strides = array<i32>} : memref<3328xf32, #tpu.memory_space<vmem>>, vector<16xf32>,
      %add3A_165 = arith.addf %add3A_158, %get3A_164 : vector<16xf32>
      %mul3A_166 = arith.constant 16 : i32
      %mul3A_167 = arith.muli %scan3A_61, %mul3A_166 : i32
      %add3A_168 = arith.constant 1920 : i32
      %add3A_169 = arith.addi %add3A_168, %mul3A_167 : i32
      %get3A_170 = arith.index_cast %add3A_169 : i32 to index
      %get3A_171 = tpu.vector_load %arg8[%get3A_170] {strides = array<i32>} : memref<3328xf32, #tpu.memory_space<vmem>>, vector<16xf32>,
      %add3A_172 = arith.addf %add3A_165, %get3A_171 : vector<16xf32>
      %mul3A_173 = arith.constant 16 : i32
      %mul3A_174 = arith.muli %scan3A_61, %mul3A_173 : i32
      %add3A_175 = arith.constant 2048 : i32
      %add3A_176 = arith.addi %add3A_175, %mul3A_174 : i32
      %get3A_177 = arith.index_cast %add3A_176 : i32 to index
      %get3A_178 = tpu.vector_load %arg8[%get3A_177] {strides = array<i32>} : memref<3328xf32, #tpu.memory_space<vmem>>, vector<16xf32>,
      %add3A_179 = arith.addf %add3A_172, %get3A_178 : vector<16xf32>
      %mul3A_180 = arith.constant 16 : i32
      %mul3A_181 = arith.muli %scan3A_61, %mul3A_180 : i32
      %add3A_182 = arith.constant 2176 : i32
      %add3A_183 = arith.addi %add3A_182, %mul3A_181 : i32
      %get3A_184 = arith.index_cast %add3A_183 : i32 to index
      %get3A_185 = tpu.vector_load %arg8[%get3A_184] {strides = array<i32>} : memref<3328xf32, #tpu.memory_space<vmem>>, vector<16xf32>,
      %add3A_186 = arith.addf %add3A_179, %get3A_185 : vector<16xf32>
      %mul3A_187 = arith.constant 16 : i32
      %mul3A_188 = arith.muli %scan3A_61, %mul3A_187 : i32
      %add3A_189 = arith.constant 2304 : i32
      %add3A_190 = arith.addi %add3A_189, %mul3A_188 : i32
      %get3A_191 = arith.index_cast %add3A_190 : i32 to index
      %get3A_192 = tpu.vector_load %arg8[%get3A_191] {strides = array<i32>} : memref<3328xf32, #tpu.memory_space<vmem>>, vector<16xf32>,
      %add3A_193 = arith.addf %add3A_186, %get3A_192 : vector<16xf32>
      %mul3A_194 = arith.constant 16 : i32
      %mul3A_195 = arith.muli %scan3A_61, %mul3A_194 : i32
      %add3A_196 = arith.constant 2432 : i32
      %add3A_197 = arith.addi %add3A_196, %mul3A_195 : i32
      %get3A_198 = arith.index_cast %add3A_197 : i32 to index
      %get3A_199 = tpu.vector_load %arg8[%get3A_198] {strides = array<i32>} : memref<3328xf32, #tpu.memory_space<vmem>>, vector<16xf32>,
      %add3A_200 = arith.addf %add3A_193, %get3A_199 : vector<16xf32>
      %mul3A_201 = arith.constant 16 : i32
      %mul3A_202 = arith.muli %scan3A_61, %mul3A_201 : i32
      %add3A_203 = arith.constant 2560 : i32
      %add3A_204 = arith.addi %add3A_203, %mul3A_202 : i32
      %get3A_205 = arith.index_cast %add3A_204 : i32 to index
      %get3A_206 = tpu.vector_load %arg8[%get3A_205] {strides = array<i32>} : memref<3328xf32, #tpu.memory_space<vmem>>, vector<16xf32>,
      %add3A_207 = arith.addf %add3A_200, %get3A_206 : vector<16xf32>
      %mul3A_208 = arith.constant 16 : i32
      %mul3A_209 = arith.muli %scan3A_61, %mul3A_208 : i32
      %add3A_210 = arith.constant 2688 : i32
      %add3A_211 = arith.addi %add3A_210, %mul3A_209 : i32
      %get3A_212 = arith.index_cast %add3A_211 : i32 to index
      %get3A_213 = tpu.vector_load %arg8[%get3A_212] {strides = array<i32>} : memref<3328xf32, #tpu.memory_space<vmem>>, vector<16xf32>,
      %add3A_214 = arith.addf %add3A_207, %get3A_213 : vector<16xf32>
      %mul3A_215 = arith.constant 16 : i32
      %mul3A_216 = arith.muli %scan3A_61, %mul3A_215 : i32
      %add3A_217 = arith.constant 2816 : i32
      %add3A_218 = arith.addi %add3A_217, %mul3A_216 : i32
      %get3A_219 = arith.index_cast %add3A_218 : i32 to index
      %get3A_220 = tpu.vector_load %arg8[%get3A_219] {strides = array<i32>} : memref<3328xf32, #tpu.memory_space<vmem>>, vector<16xf32>,
      %add3A_221 = arith.addf %add3A_214, %get3A_220 : vector<16xf32>
      %mul3A_222 = arith.constant 16 : i32
      %mul3A_223 = arith.muli %scan3A_61, %mul3A_222 : i32
      %add3A_224 = arith.constant 2944 : i32
      %add3A_225 = arith.addi %add3A_224, %mul3A_223 : i32
      %get3A_226 = arith.index_cast %add3A_225 : i32 to index
      %get3A_227 = tpu.vector_load %arg8[%get3A_226] {strides = array<i32>} : memref<3328xf32, #tpu.memory_space<vmem>>, vector<16xf32>,
      %add3A_228 = arith.addf %add3A_221, %get3A_227 : vector<16xf32>
      %mul3A_229 = arith.constant 16 : i32
      %mul3A_230 = arith.muli %scan3A_61, %mul3A_229 : i32
      %add3A_231 = arith.constant 3072 : i32
      %add3A_232 = arith.addi %add3A_231, %mul3A_230 : i32
      %get3A_233 = arith.index_cast %add3A_232 : i32 to index
      %get3A_234 = tpu.vector_load %arg8[%get3A_233] {strides = array<i32>} : memref<3328xf32, #tpu.memory_space<vmem>>, vector<16xf32>,
      %add3A_235 = arith.addf %add3A_228, %get3A_234 : vector<16xf32>
      %mul3A_236 = arith.constant 16 : i32
      %mul3A_237 = arith.muli %scan3A_61, %mul3A_236 : i32
      %add3A_238 = arith.constant 3200 : i32
      %add3A_239 = arith.addi %add3A_238, %mul3A_237 : i32
      %get3A_240 = arith.index_cast %add3A_239 : i32 to index
      %get3A_241 = tpu.vector_load %arg8[%get3A_240] {strides = array<i32>} : memref<3328xf32, #tpu.memory_space<vmem>>, vector<16xf32>,
      %add3A_242 = arith.addf %add3A_235, %get3A_241 : vector<16xf32>
      %neg3A = arith.constant 0.000000e+00 : f32
      %neg3A_243 = vector.broadcast %neg3A : f32 to vector<16xf32>
      %neg3A_244 = arith.subf %neg3A_243, %add3A_242 : vector<16xf32>
      %exp3A = math.exp %neg3A_244 : vector<16xf32>
      %add3A_245 = arith.constant 1.000000e+00 : f32
      %add3A_246 = vector.broadcast %add3A_245 : f32 to vector<16xf32>
      %add3A_247 = arith.addf %add3A_246, %exp3A : vector<16xf32>
      %div3A = arith.constant 1.000000e+00 : f32
      %div3A_248 = vector.broadcast %div3A : f32 to vector<16xf32>
      %div3A_249 = arith.divf %div3A_248, %add3A_247 : vector<16xf32>
      %mul3A_250 = arith.constant 16 : i32
      %mul3A_251 = arith.muli %scan3A_61, %mul3A_250 : i32
      %add3A_252 = arith.constant 128 : i32
      %add3A_253 = arith.addi %add3A_252, %mul3A_251 : i32
      %swap3A = arith.index_cast %add3A_253 : i32 to index
      %swap3A_254 = tpu.vector_load %arg12[%swap3A] {strides = array<i32>} : memref<512xf32, #tpu.memory_space<vmem>>, vector<16xf32>,
      tpu.vector_store %arg12[%swap3A], %div3A_249 {strides = array<i32>} : memref<512xf32, #tpu.memory_space<vmem>>, vector<16xf32>,
    }
    %scan3A_38 = arith.constant 8 : i32
    %dma_wait3A_39 = arith.constant 6656 : i32
    %dma_wait3A_40 = tpu.memref_slice %arg6[%dma_wait3A_39] : memref<13312xi32, #tpu.memory_space<vmem>> -> memref<3328xi32, #tpu.memory_space<vmem>>
    %dma_wait3A_41 = arith.constant 0 : i32
    %dma_wait3A_42 = tpu.memref_slice %arg3[%dma_wait3A_41] : memref<1000000xf32, #tpu.memory_space<hbm>> -> memref<1000000xf32, #tpu.memory_space<hbm>>
    tpu.wait_indirect_dma semaphore(%arg15 : memref<!tpu.dma_semaphore, #tpu.memory_space<semaphore_mem>>) src(%dma_wait3A_42 : memref<1000000xf32, #tpu.memory_space<hbm>>) dst(%arg9 : memref<3328xf32, #tpu.memory_space<vmem>>)
    %scan3A_43 = arith.constant 0 : i32
    %scan3A_44 = arith.constant 0 : i32
    %scan3A_45 = arith.constant 8 : i32
    %scan3A_46 = arith.addi %scan3A_44, %scan3A_45 : i32
    %scan3A_47 = arith.constant 1 : i32
    scf.for %scan3A_61 = %scan3A_44 to %scan3A_46 step %scan3A_47  : i32 {
      %mul3A_62 = arith.constant 16 : i32
      %mul3A_63 = arith.muli %scan3A_61, %mul3A_62 : i32
      %add3A_64 = arith.constant 0 : i32
      %add3A_65 = arith.addi %add3A_64, %mul3A_63 : i32
      %get3A = arith.index_cast %add3A_65 : i32 to index
      %get3A_66 = tpu.vector_load %arg9[%get3A] {strides = array<i32>} : memref<3328xf32, #tpu.memory_space<vmem>>, vector<16xf32>,
      %add3A_67 = arith.addf %gather3A, %get3A_66 : vector<16xf32>
      %mul3A_68 = arith.constant 16 : i32
      %mul3A_69 = arith.muli %scan3A_61, %mul3A_68 : i32
      %add3A_70 = arith.constant 128 : i32
      %add3A_71 = arith.addi %add3A_70, %mul3A_69 : i32
      %get3A_72 = arith.index_cast %add3A_71 : i32 to index
      %get3A_73 = tpu.vector_load %arg9[%get3A_72] {strides = array<i32>} : memref<3328xf32, #tpu.memory_space<vmem>>, vector<16xf32>,
      %add3A_74 = arith.addf %add3A_67, %get3A_73 : vector<16xf32>
      %mul3A_75 = arith.constant 16 : i32
      %mul3A_76 = arith.muli %scan3A_61, %mul3A_75 : i32
      %add3A_77 = arith.constant 256 : i32
      %add3A_78 = arith.addi %add3A_77, %mul3A_76 : i32
      %get3A_79 = arith.index_cast %add3A_78 : i32 to index
      %get3A_80 = tpu.vector_load %arg9[%get3A_79] {strides = array<i32>} : memref<3328xf32, #tpu.memory_space<vmem>>, vector<16xf32>,
      %add3A_81 = arith.addf %add3A_74, %get3A_80 : vector<16xf32>
      %mul3A_82 = arith.constant 16 : i32
      %mul3A_83 = arith.muli %scan3A_61, %mul3A_82 : i32
      %add3A_84 = arith.constant 384 : i32
      %add3A_85 = arith.addi %add3A_84, %mul3A_83 : i32
      %get3A_86 = arith.index_cast %add3A_85 : i32 to index
      %get3A_87 = tpu.vector_load %arg9[%get3A_86] {strides = array<i32>} : memref<3328xf32, #tpu.memory_space<vmem>>, vector<16xf32>,
      %add3A_88 = arith.addf %add3A_81, %get3A_87 : vector<16xf32>
      %mul3A_89 = arith.constant 16 : i32
      %mul3A_90 = arith.muli %scan3A_61, %mul3A_89 : i32
      %add3A_91 = arith.constant 512 : i32
      %add3A_92 = arith.addi %add3A_91, %mul3A_90 : i32
      %get3A_93 = arith.index_cast %add3A_92 : i32 to index
      %get3A_94 = tpu.vector_load %arg9[%get3A_93] {strides = array<i32>} : memref<3328xf32, #tpu.memory_space<vmem>>, vector<16xf32>,
      %add3A_95 = arith.addf %add3A_88, %get3A_94 : vector<16xf32>
      %mul3A_96 = arith.constant 16 : i32
      %mul3A_97 = arith.muli %scan3A_61, %mul3A_96 : i32
      %add3A_98 = arith.constant 640 : i32
      %add3A_99 = arith.addi %add3A_98, %mul3A_97 : i32
      %get3A_100 = arith.index_cast %add3A_99 : i32 to index
      %get3A_101 = tpu.vector_load %arg9[%get3A_100] {strides = array<i32>} : memref<3328xf32, #tpu.memory_space<vmem>>, vector<16xf32>,
      %add3A_102 = arith.addf %add3A_95, %get3A_101 : vector<16xf32>
      %mul3A_103 = arith.constant 16 : i32
      %mul3A_104 = arith.muli %scan3A_61, %mul3A_103 : i32
      %add3A_105 = arith.constant 768 : i32
      %add3A_106 = arith.addi %add3A_105, %mul3A_104 : i32
      %get3A_107 = arith.index_cast %add3A_106 : i32 to index
      %get3A_108 = tpu.vector_load %arg9[%get3A_107] {strides = array<i32>} : memref<3328xf32, #tpu.memory_space<vmem>>, vector<16xf32>,
      %add3A_109 = arith.addf %add3A_102, %get3A_108 : vector<16xf32>
      %mul3A_110 = arith.constant 16 : i32
      %mul3A_111 = arith.muli %scan3A_61, %mul3A_110 : i32
      %add3A_112 = arith.constant 896 : i32
      %add3A_113 = arith.addi %add3A_112, %mul3A_111 : i32
      %get3A_114 = arith.index_cast %add3A_113 : i32 to index
      %get3A_115 = tpu.vector_load %arg9[%get3A_114] {strides = array<i32>} : memref<3328xf32, #tpu.memory_space<vmem>>, vector<16xf32>,
      %add3A_116 = arith.addf %add3A_109, %get3A_115 : vector<16xf32>
      %mul3A_117 = arith.constant 16 : i32
      %mul3A_118 = arith.muli %scan3A_61, %mul3A_117 : i32
      %add3A_119 = arith.constant 1024 : i32
      %add3A_120 = arith.addi %add3A_119, %mul3A_118 : i32
      %get3A_121 = arith.index_cast %add3A_120 : i32 to index
      %get3A_122 = tpu.vector_load %arg9[%get3A_121] {strides = array<i32>} : memref<3328xf32, #tpu.memory_space<vmem>>, vector<16xf32>,
      %add3A_123 = arith.addf %add3A_116, %get3A_122 : vector<16xf32>
      %mul3A_124 = arith.constant 16 : i32
      %mul3A_125 = arith.muli %scan3A_61, %mul3A_124 : i32
      %add3A_126 = arith.constant 1152 : i32
      %add3A_127 = arith.addi %add3A_126, %mul3A_125 : i32
      %get3A_128 = arith.index_cast %add3A_127 : i32 to index
      %get3A_129 = tpu.vector_load %arg9[%get3A_128] {strides = array<i32>} : memref<3328xf32, #tpu.memory_space<vmem>>, vector<16xf32>,
      %add3A_130 = arith.addf %add3A_123, %get3A_129 : vector<16xf32>
      %mul3A_131 = arith.constant 16 : i32
      %mul3A_132 = arith.muli %scan3A_61, %mul3A_131 : i32
      %add3A_133 = arith.constant 1280 : i32
      %add3A_134 = arith.addi %add3A_133, %mul3A_132 : i32
      %get3A_135 = arith.index_cast %add3A_134 : i32 to index
      %get3A_136 = tpu.vector_load %arg9[%get3A_135] {strides = array<i32>} : memref<3328xf32, #tpu.memory_space<vmem>>, vector<16xf32>,
      %add3A_137 = arith.addf %add3A_130, %get3A_136 : vector<16xf32>
      %mul3A_138 = arith.constant 16 : i32
      %mul3A_139 = arith.muli %scan3A_61, %mul3A_138 : i32
      %add3A_140 = arith.constant 1408 : i32
      %add3A_141 = arith.addi %add3A_140, %mul3A_139 : i32
      %get3A_142 = arith.index_cast %add3A_141 : i32 to index
      %get3A_143 = tpu.vector_load %arg9[%get3A_142] {strides = array<i32>} : memref<3328xf32, #tpu.memory_space<vmem>>, vector<16xf32>,
      %add3A_144 = arith.addf %add3A_137, %get3A_143 : vector<16xf32>
      %mul3A_145 = arith.constant 16 : i32
      %mul3A_146 = arith.muli %scan3A_61, %mul3A_145 : i32
      %add3A_147 = arith.constant 1536 : i32
      %add3A_148 = arith.addi %add3A_147, %mul3A_146 : i32
      %get3A_149 = arith.index_cast %add3A_148 : i32 to index
      %get3A_150 = tpu.vector_load %arg9[%get3A_149] {strides = array<i32>} : memref<3328xf32, #tpu.memory_space<vmem>>, vector<16xf32>,
      %add3A_151 = arith.addf %add3A_144, %get3A_150 : vector<16xf32>
      %mul3A_152 = arith.constant 16 : i32
      %mul3A_153 = arith.muli %scan3A_61, %mul3A_152 : i32
      %add3A_154 = arith.constant 1664 : i32
      %add3A_155 = arith.addi %add3A_154, %mul3A_153 : i32
      %get3A_156 = arith.index_cast %add3A_155 : i32 to index
      %get3A_157 = tpu.vector_load %arg9[%get3A_156] {strides = array<i32>} : memref<3328xf32, #tpu.memory_space<vmem>>, vector<16xf32>,
      %add3A_158 = arith.addf %add3A_151, %get3A_157 : vector<16xf32>
      %mul3A_159 = arith.constant 16 : i32
      %mul3A_160 = arith.muli %scan3A_61, %mul3A_159 : i32
      %add3A_161 = arith.constant 1792 : i32
      %add3A_162 = arith.addi %add3A_161, %mul3A_160 : i32
      %get3A_163 = arith.index_cast %add3A_162 : i32 to index
      %get3A_164 = tpu.vector_load %arg9[%get3A_163] {strides = array<i32>} : memref<3328xf32, #tpu.memory_space<vmem>>, vector<16xf32>,
      %add3A_165 = arith.addf %add3A_158, %get3A_164 : vector<16xf32>
      %mul3A_166 = arith.constant 16 : i32
      %mul3A_167 = arith.muli %scan3A_61, %mul3A_166 : i32
      %add3A_168 = arith.constant 1920 : i32
      %add3A_169 = arith.addi %add3A_168, %mul3A_167 : i32
      %get3A_170 = arith.index_cast %add3A_169 : i32 to index
      %get3A_171 = tpu.vector_load %arg9[%get3A_170] {strides = array<i32>} : memref<3328xf32, #tpu.memory_space<vmem>>, vector<16xf32>,
      %add3A_172 = arith.addf %add3A_165, %get3A_171 : vector<16xf32>
      %mul3A_173 = arith.constant 16 : i32
      %mul3A_174 = arith.muli %scan3A_61, %mul3A_173 : i32
      %add3A_175 = arith.constant 2048 : i32
      %add3A_176 = arith.addi %add3A_175, %mul3A_174 : i32
      %get3A_177 = arith.index_cast %add3A_176 : i32 to index
      %get3A_178 = tpu.vector_load %arg9[%get3A_177] {strides = array<i32>} : memref<3328xf32, #tpu.memory_space<vmem>>, vector<16xf32>,
      %add3A_179 = arith.addf %add3A_172, %get3A_178 : vector<16xf32>
      %mul3A_180 = arith.constant 16 : i32
      %mul3A_181 = arith.muli %scan3A_61, %mul3A_180 : i32
      %add3A_182 = arith.constant 2176 : i32
      %add3A_183 = arith.addi %add3A_182, %mul3A_181 : i32
      %get3A_184 = arith.index_cast %add3A_183 : i32 to index
      %get3A_185 = tpu.vector_load %arg9[%get3A_184] {strides = array<i32>} : memref<3328xf32, #tpu.memory_space<vmem>>, vector<16xf32>,
      %add3A_186 = arith.addf %add3A_179, %get3A_185 : vector<16xf32>
      %mul3A_187 = arith.constant 16 : i32
      %mul3A_188 = arith.muli %scan3A_61, %mul3A_187 : i32
      %add3A_189 = arith.constant 2304 : i32
      %add3A_190 = arith.addi %add3A_189, %mul3A_188 : i32
      %get3A_191 = arith.index_cast %add3A_190 : i32 to index
      %get3A_192 = tpu.vector_load %arg9[%get3A_191] {strides = array<i32>} : memref<3328xf32, #tpu.memory_space<vmem>>, vector<16xf32>,
      %add3A_193 = arith.addf %add3A_186, %get3A_192 : vector<16xf32>
      %mul3A_194 = arith.constant 16 : i32
      %mul3A_195 = arith.muli %scan3A_61, %mul3A_194 : i32
      %add3A_196 = arith.constant 2432 : i32
      %add3A_197 = arith.addi %add3A_196, %mul3A_195 : i32
      %get3A_198 = arith.index_cast %add3A_197 : i32 to index
      %get3A_199 = tpu.vector_load %arg9[%get3A_198] {strides = array<i32>} : memref<3328xf32, #tpu.memory_space<vmem>>, vector<16xf32>,
      %add3A_200 = arith.addf %add3A_193, %get3A_199 : vector<16xf32>
      %mul3A_201 = arith.constant 16 : i32
      %mul3A_202 = arith.muli %scan3A_61, %mul3A_201 : i32
      %add3A_203 = arith.constant 2560 : i32
      %add3A_204 = arith.addi %add3A_203, %mul3A_202 : i32
      %get3A_205 = arith.index_cast %add3A_204 : i32 to index
      %get3A_206 = tpu.vector_load %arg9[%get3A_205] {strides = array<i32>} : memref<3328xf32, #tpu.memory_space<vmem>>, vector<16xf32>,
      %add3A_207 = arith.addf %add3A_200, %get3A_206 : vector<16xf32>
      %mul3A_208 = arith.constant 16 : i32
      %mul3A_209 = arith.muli %scan3A_61, %mul3A_208 : i32
      %add3A_210 = arith.constant 2688 : i32
      %add3A_211 = arith.addi %add3A_210, %mul3A_209 : i32
      %get3A_212 = arith.index_cast %add3A_211 : i32 to index
      %get3A_213 = tpu.vector_load %arg9[%get3A_212] {strides = array<i32>} : memref<3328xf32, #tpu.memory_space<vmem>>, vector<16xf32>,
      %add3A_214 = arith.addf %add3A_207, %get3A_213 : vector<16xf32>
      %mul3A_215 = arith.constant 16 : i32
      %mul3A_216 = arith.muli %scan3A_61, %mul3A_215 : i32
      %add3A_217 = arith.constant 2816 : i32
      %add3A_218 = arith.addi %add3A_217, %mul3A_216 : i32
      %get3A_219 = arith.index_cast %add3A_218 : i32 to index
      %get3A_220 = tpu.vector_load %arg9[%get3A_219] {strides = array<i32>} : memref<3328xf32, #tpu.memory_space<vmem>>, vector<16xf32>,
      %add3A_221 = arith.addf %add3A_214, %get3A_220 : vector<16xf32>
      %mul3A_222 = arith.constant 16 : i32
      %mul3A_223 = arith.muli %scan3A_61, %mul3A_222 : i32
      %add3A_224 = arith.constant 2944 : i32
      %add3A_225 = arith.addi %add3A_224, %mul3A_223 : i32
      %get3A_226 = arith.index_cast %add3A_225 : i32 to index
      %get3A_227 = tpu.vector_load %arg9[%get3A_226] {strides = array<i32>} : memref<3328xf32, #tpu.memory_space<vmem>>, vector<16xf32>,
      %add3A_228 = arith.addf %add3A_221, %get3A_227 : vector<16xf32>
      %mul3A_229 = arith.constant 16 : i32
      %mul3A_230 = arith.muli %scan3A_61, %mul3A_229 : i32
      %add3A_231 = arith.constant 3072 : i32
      %add3A_232 = arith.addi %add3A_231, %mul3A_230 : i32
      %get3A_233 = arith.index_cast %add3A_232 : i32 to index
      %get3A_234 = tpu.vector_load %arg9[%get3A_233] {strides = array<i32>} : memref<3328xf32, #tpu.memory_space<vmem>>, vector<16xf32>,
      %add3A_235 = arith.addf %add3A_228, %get3A_234 : vector<16xf32>
      %mul3A_236 = arith.constant 16 : i32
      %mul3A_237 = arith.muli %scan3A_61, %mul3A_236 : i32
      %add3A_238 = arith.constant 3200 : i32
      %add3A_239 = arith.addi %add3A_238, %mul3A_237 : i32
      %get3A_240 = arith.index_cast %add3A_239 : i32 to index
      %get3A_241 = tpu.vector_load %arg9[%get3A_240] {strides = array<i32>} : memref<3328xf32, #tpu.memory_space<vmem>>, vector<16xf32>,
      %add3A_242 = arith.addf %add3A_235, %get3A_241 : vector<16xf32>
      %neg3A = arith.constant 0.000000e+00 : f32
      %neg3A_243 = vector.broadcast %neg3A : f32 to vector<16xf32>
      %neg3A_244 = arith.subf %neg3A_243, %add3A_242 : vector<16xf32>
      %exp3A = math.exp %neg3A_244 : vector<16xf32>
      %add3A_245 = arith.constant 1.000000e+00 : f32
      %add3A_246 = vector.broadcast %add3A_245 : f32 to vector<16xf32>
      %add3A_247 = arith.addf %add3A_246, %exp3A : vector<16xf32>
      %div3A = arith.constant 1.000000e+00 : f32
      %div3A_248 = vector.broadcast %div3A : f32 to vector<16xf32>
      %div3A_249 = arith.divf %div3A_248, %add3A_247 : vector<16xf32>
      %mul3A_250 = arith.constant 16 : i32
      %mul3A_251 = arith.muli %scan3A_61, %mul3A_250 : i32
      %add3A_252 = arith.constant 256 : i32
      %add3A_253 = arith.addi %add3A_252, %mul3A_251 : i32
      %swap3A = arith.index_cast %add3A_253 : i32 to index
      %swap3A_254 = tpu.vector_load %arg12[%swap3A] {strides = array<i32>} : memref<512xf32, #tpu.memory_space<vmem>>, vector<16xf32>,
      tpu.vector_store %arg12[%swap3A], %div3A_249 {strides = array<i32>} : memref<512xf32, #tpu.memory_space<vmem>>, vector<16xf32>,
    }
    %scan3A_48 = arith.constant 8 : i32
    %dma_wait3A_49 = arith.constant 9984 : i32
    %dma_wait3A_50 = tpu.memref_slice %arg6[%dma_wait3A_49] : memref<13312xi32, #tpu.memory_space<vmem>> -> memref<3328xi32, #tpu.memory_space<vmem>>
    %dma_wait3A_51 = arith.constant 0 : i32
    %dma_wait3A_52 = tpu.memref_slice %arg3[%dma_wait3A_51] : memref<1000000xf32, #tpu.memory_space<hbm>> -> memref<1000000xf32, #tpu.memory_space<hbm>>
    tpu.wait_indirect_dma semaphore(%arg16 : memref<!tpu.dma_semaphore, #tpu.memory_space<semaphore_mem>>) src(%dma_wait3A_52 : memref<1000000xf32, #tpu.memory_space<hbm>>) dst(%arg10 : memref<3328xf32, #tpu.memory_space<vmem>>)
    %scan3A_53 = arith.constant 0 : i32
    %scan3A_54 = arith.constant 0 : i32
    %scan3A_55 = arith.constant 8 : i32
    %scan3A_56 = arith.addi %scan3A_54, %scan3A_55 : i32
    %scan3A_57 = arith.constant 1 : i32
    scf.for %scan3A_61 = %scan3A_54 to %scan3A_56 step %scan3A_57  : i32 {
      %mul3A_62 = arith.constant 16 : i32
      %mul3A_63 = arith.muli %scan3A_61, %mul3A_62 : i32
      %add3A_64 = arith.constant 0 : i32
      %add3A_65 = arith.addi %add3A_64, %mul3A_63 : i32
      %get3A = arith.index_cast %add3A_65 : i32 to index
      %get3A_66 = tpu.vector_load %arg10[%get3A] {strides = array<i32>} : memref<3328xf32, #tpu.memory_space<vmem>>, vector<16xf32>,
      %add3A_67 = arith.addf %gather3A, %get3A_66 : vector<16xf32>
      %mul3A_68 = arith.constant 16 : i32
      %mul3A_69 = arith.muli %scan3A_61, %mul3A_68 : i32
      %add3A_70 = arith.constant 128 : i32
      %add3A_71 = arith.addi %add3A_70, %mul3A_69 : i32
      %get3A_72 = arith.index_cast %add3A_71 : i32 to index
      %get3A_73 = tpu.vector_load %arg10[%get3A_72] {strides = array<i32>} : memref<3328xf32, #tpu.memory_space<vmem>>, vector<16xf32>,
      %add3A_74 = arith.addf %add3A_67, %get3A_73 : vector<16xf32>
      %mul3A_75 = arith.constant 16 : i32
      %mul3A_76 = arith.muli %scan3A_61, %mul3A_75 : i32
      %add3A_77 = arith.constant 256 : i32
      %add3A_78 = arith.addi %add3A_77, %mul3A_76 : i32
      %get3A_79 = arith.index_cast %add3A_78 : i32 to index
      %get3A_80 = tpu.vector_load %arg10[%get3A_79] {strides = array<i32>} : memref<3328xf32, #tpu.memory_space<vmem>>, vector<16xf32>,
      %add3A_81 = arith.addf %add3A_74, %get3A_80 : vector<16xf32>
      %mul3A_82 = arith.constant 16 : i32
      %mul3A_83 = arith.muli %scan3A_61, %mul3A_82 : i32
      %add3A_84 = arith.constant 384 : i32
      %add3A_85 = arith.addi %add3A_84, %mul3A_83 : i32
      %get3A_86 = arith.index_cast %add3A_85 : i32 to index
      %get3A_87 = tpu.vector_load %arg10[%get3A_86] {strides = array<i32>} : memref<3328xf32, #tpu.memory_space<vmem>>, vector<16xf32>,
      %add3A_88 = arith.addf %add3A_81, %get3A_87 : vector<16xf32>
      %mul3A_89 = arith.constant 16 : i32
      %mul3A_90 = arith.muli %scan3A_61, %mul3A_89 : i32
      %add3A_91 = arith.constant 512 : i32
      %add3A_92 = arith.addi %add3A_91, %mul3A_90 : i32
      %get3A_93 = arith.index_cast %add3A_92 : i32 to index
      %get3A_94 = tpu.vector_load %arg10[%get3A_93] {strides = array<i32>} : memref<3328xf32, #tpu.memory_space<vmem>>, vector<16xf32>,
      %add3A_95 = arith.addf %add3A_88, %get3A_94 : vector<16xf32>
      %mul3A_96 = arith.constant 16 : i32
      %mul3A_97 = arith.muli %scan3A_61, %mul3A_96 : i32
      %add3A_98 = arith.constant 640 : i32
      %add3A_99 = arith.addi %add3A_98, %mul3A_97 : i32
      %get3A_100 = arith.index_cast %add3A_99 : i32 to index
      %get3A_101 = tpu.vector_load %arg10[%get3A_100] {strides = array<i32>} : memref<3328xf32, #tpu.memory_space<vmem>>, vector<16xf32>,
      %add3A_102 = arith.addf %add3A_95, %get3A_101 : vector<16xf32>
      %mul3A_103 = arith.constant 16 : i32
      %mul3A_104 = arith.muli %scan3A_61, %mul3A_103 : i32
      %add3A_105 = arith.constant 768 : i32
      %add3A_106 = arith.addi %add3A_105, %mul3A_104 : i32
      %get3A_107 = arith.index_cast %add3A_106 : i32 to index
      %get3A_108 = tpu.vector_load %arg10[%get3A_107] {strides = array<i32>} : memref<3328xf32, #tpu.memory_space<vmem>>, vector<16xf32>,
      %add3A_109 = arith.addf %add3A_102, %get3A_108 : vector<16xf32>
      %mul3A_110 = arith.constant 16 : i32
      %mul3A_111 = arith.muli %scan3A_61, %mul3A_110 : i32
      %add3A_112 = arith.constant 896 : i32
      %add3A_113 = arith.addi %add3A_112, %mul3A_111 : i32
      %get3A_114 = arith.index_cast %add3A_113 : i32 to index
      %get3A_115 = tpu.vector_load %arg10[%get3A_114] {strides = array<i32>} : memref<3328xf32, #tpu.memory_space<vmem>>, vector<16xf32>,
      %add3A_116 = arith.addf %add3A_109, %get3A_115 : vector<16xf32>
      %mul3A_117 = arith.constant 16 : i32
      %mul3A_118 = arith.muli %scan3A_61, %mul3A_117 : i32
      %add3A_119 = arith.constant 1024 : i32
      %add3A_120 = arith.addi %add3A_119, %mul3A_118 : i32
      %get3A_121 = arith.index_cast %add3A_120 : i32 to index
      %get3A_122 = tpu.vector_load %arg10[%get3A_121] {strides = array<i32>} : memref<3328xf32, #tpu.memory_space<vmem>>, vector<16xf32>,
      %add3A_123 = arith.addf %add3A_116, %get3A_122 : vector<16xf32>
      %mul3A_124 = arith.constant 16 : i32
      %mul3A_125 = arith.muli %scan3A_61, %mul3A_124 : i32
      %add3A_126 = arith.constant 1152 : i32
      %add3A_127 = arith.addi %add3A_126, %mul3A_125 : i32
      %get3A_128 = arith.index_cast %add3A_127 : i32 to index
      %get3A_129 = tpu.vector_load %arg10[%get3A_128] {strides = array<i32>} : memref<3328xf32, #tpu.memory_space<vmem>>, vector<16xf32>,
      %add3A_130 = arith.addf %add3A_123, %get3A_129 : vector<16xf32>
      %mul3A_131 = arith.constant 16 : i32
      %mul3A_132 = arith.muli %scan3A_61, %mul3A_131 : i32
      %add3A_133 = arith.constant 1280 : i32
      %add3A_134 = arith.addi %add3A_133, %mul3A_132 : i32
      %get3A_135 = arith.index_cast %add3A_134 : i32 to index
      %get3A_136 = tpu.vector_load %arg10[%get3A_135] {strides = array<i32>} : memref<3328xf32, #tpu.memory_space<vmem>>, vector<16xf32>,
      %add3A_137 = arith.addf %add3A_130, %get3A_136 : vector<16xf32>
      %mul3A_138 = arith.constant 16 : i32
      %mul3A_139 = arith.muli %scan3A_61, %mul3A_138 : i32
      %add3A_140 = arith.constant 1408 : i32
      %add3A_141 = arith.addi %add3A_140, %mul3A_139 : i32
      %get3A_142 = arith.index_cast %add3A_141 : i32 to index
      %get3A_143 = tpu.vector_load %arg10[%get3A_142] {strides = array<i32>} : memref<3328xf32, #tpu.memory_space<vmem>>, vector<16xf32>,
      %add3A_144 = arith.addf %add3A_137, %get3A_143 : vector<16xf32>
      %mul3A_145 = arith.constant 16 : i32
      %mul3A_146 = arith.muli %scan3A_61, %mul3A_145 : i32
      %add3A_147 = arith.constant 1536 : i32
      %add3A_148 = arith.addi %add3A_147, %mul3A_146 : i32
      %get3A_149 = arith.index_cast %add3A_148 : i32 to index
      %get3A_150 = tpu.vector_load %arg10[%get3A_149] {strides = array<i32>} : memref<3328xf32, #tpu.memory_space<vmem>>, vector<16xf32>,
      %add3A_151 = arith.addf %add3A_144, %get3A_150 : vector<16xf32>
      %mul3A_152 = arith.constant 16 : i32
      %mul3A_153 = arith.muli %scan3A_61, %mul3A_152 : i32
      %add3A_154 = arith.constant 1664 : i32
      %add3A_155 = arith.addi %add3A_154, %mul3A_153 : i32
      %get3A_156 = arith.index_cast %add3A_155 : i32 to index
      %get3A_157 = tpu.vector_load %arg10[%get3A_156] {strides = array<i32>} : memref<3328xf32, #tpu.memory_space<vmem>>, vector<16xf32>,
      %add3A_158 = arith.addf %add3A_151, %get3A_157 : vector<16xf32>
      %mul3A_159 = arith.constant 16 : i32
      %mul3A_160 = arith.muli %scan3A_61, %mul3A_159 : i32
      %add3A_161 = arith.constant 1792 : i32
      %add3A_162 = arith.addi %add3A_161, %mul3A_160 : i32
      %get3A_163 = arith.index_cast %add3A_162 : i32 to index
      %get3A_164 = tpu.vector_load %arg10[%get3A_163] {strides = array<i32>} : memref<3328xf32, #tpu.memory_space<vmem>>, vector<16xf32>,
      %add3A_165 = arith.addf %add3A_158, %get3A_164 : vector<16xf32>
      %mul3A_166 = arith.constant 16 : i32
      %mul3A_167 = arith.muli %scan3A_61, %mul3A_166 : i32
      %add3A_168 = arith.constant 1920 : i32
      %add3A_169 = arith.addi %add3A_168, %mul3A_167 : i32
      %get3A_170 = arith.index_cast %add3A_169 : i32 to index
      %get3A_171 = tpu.vector_load %arg10[%get3A_170] {strides = array<i32>} : memref<3328xf32, #tpu.memory_space<vmem>>, vector<16xf32>,
      %add3A_172 = arith.addf %add3A_165, %get3A_171 : vector<16xf32>
      %mul3A_173 = arith.constant 16 : i32
      %mul3A_174 = arith.muli %scan3A_61, %mul3A_173 : i32
      %add3A_175 = arith.constant 2048 : i32
      %add3A_176 = arith.addi %add3A_175, %mul3A_174 : i32
      %get3A_177 = arith.index_cast %add3A_176 : i32 to index
      %get3A_178 = tpu.vector_load %arg10[%get3A_177] {strides = array<i32>} : memref<3328xf32, #tpu.memory_space<vmem>>, vector<16xf32>,
      %add3A_179 = arith.addf %add3A_172, %get3A_178 : vector<16xf32>
      %mul3A_180 = arith.constant 16 : i32
      %mul3A_181 = arith.muli %scan3A_61, %mul3A_180 : i32
      %add3A_182 = arith.constant 2176 : i32
      %add3A_183 = arith.addi %add3A_182, %mul3A_181 : i32
      %get3A_184 = arith.index_cast %add3A_183 : i32 to index
      %get3A_185 = tpu.vector_load %arg10[%get3A_184] {strides = array<i32>} : memref<3328xf32, #tpu.memory_space<vmem>>, vector<16xf32>,
      %add3A_186 = arith.addf %add3A_179, %get3A_185 : vector<16xf32>
      %mul3A_187 = arith.constant 16 : i32
      %mul3A_188 = arith.muli %scan3A_61, %mul3A_187 : i32
      %add3A_189 = arith.constant 2304 : i32
      %add3A_190 = arith.addi %add3A_189, %mul3A_188 : i32
      %get3A_191 = arith.index_cast %add3A_190 : i32 to index
      %get3A_192 = tpu.vector_load %arg10[%get3A_191] {strides = array<i32>} : memref<3328xf32, #tpu.memory_space<vmem>>, vector<16xf32>,
      %add3A_193 = arith.addf %add3A_186, %get3A_192 : vector<16xf32>
      %mul3A_194 = arith.constant 16 : i32
      %mul3A_195 = arith.muli %scan3A_61, %mul3A_194 : i32
      %add3A_196 = arith.constant 2432 : i32
      %add3A_197 = arith.addi %add3A_196, %mul3A_195 : i32
      %get3A_198 = arith.index_cast %add3A_197 : i32 to index
      %get3A_199 = tpu.vector_load %arg10[%get3A_198] {strides = array<i32>} : memref<3328xf32, #tpu.memory_space<vmem>>, vector<16xf32>,
      %add3A_200 = arith.addf %add3A_193, %get3A_199 : vector<16xf32>
      %mul3A_201 = arith.constant 16 : i32
      %mul3A_202 = arith.muli %scan3A_61, %mul3A_201 : i32
      %add3A_203 = arith.constant 2560 : i32
      %add3A_204 = arith.addi %add3A_203, %mul3A_202 : i32
      %get3A_205 = arith.index_cast %add3A_204 : i32 to index
      %get3A_206 = tpu.vector_load %arg10[%get3A_205] {strides = array<i32>} : memref<3328xf32, #tpu.memory_space<vmem>>, vector<16xf32>,
      %add3A_207 = arith.addf %add3A_200, %get3A_206 : vector<16xf32>
      %mul3A_208 = arith.constant 16 : i32
      %mul3A_209 = arith.muli %scan3A_61, %mul3A_208 : i32
      %add3A_210 = arith.constant 2688 : i32
      %add3A_211 = arith.addi %add3A_210, %mul3A_209 : i32
      %get3A_212 = arith.index_cast %add3A_211 : i32 to index
      %get3A_213 = tpu.vector_load %arg10[%get3A_212] {strides = array<i32>} : memref<3328xf32, #tpu.memory_space<vmem>>, vector<16xf32>,
      %add3A_214 = arith.addf %add3A_207, %get3A_213 : vector<16xf32>
      %mul3A_215 = arith.constant 16 : i32
      %mul3A_216 = arith.muli %scan3A_61, %mul3A_215 : i32
      %add3A_217 = arith.constant 2816 : i32
      %add3A_218 = arith.addi %add3A_217, %mul3A_216 : i32
      %get3A_219 = arith.index_cast %add3A_218 : i32 to index
      %get3A_220 = tpu.vector_load %arg10[%get3A_219] {strides = array<i32>} : memref<3328xf32, #tpu.memory_space<vmem>>, vector<16xf32>,
      %add3A_221 = arith.addf %add3A_214, %get3A_220 : vector<16xf32>
      %mul3A_222 = arith.constant 16 : i32
      %mul3A_223 = arith.muli %scan3A_61, %mul3A_222 : i32
      %add3A_224 = arith.constant 2944 : i32
      %add3A_225 = arith.addi %add3A_224, %mul3A_223 : i32
      %get3A_226 = arith.index_cast %add3A_225 : i32 to index
      %get3A_227 = tpu.vector_load %arg10[%get3A_226] {strides = array<i32>} : memref<3328xf32, #tpu.memory_space<vmem>>, vector<16xf32>,
      %add3A_228 = arith.addf %add3A_221, %get3A_227 : vector<16xf32>
      %mul3A_229 = arith.constant 16 : i32
      %mul3A_230 = arith.muli %scan3A_61, %mul3A_229 : i32
      %add3A_231 = arith.constant 3072 : i32
      %add3A_232 = arith.addi %add3A_231, %mul3A_230 : i32
      %get3A_233 = arith.index_cast %add3A_232 : i32 to index
      %get3A_234 = tpu.vector_load %arg10[%get3A_233] {strides = array<i32>} : memref<3328xf32, #tpu.memory_space<vmem>>, vector<16xf32>,
      %add3A_235 = arith.addf %add3A_228, %get3A_234 : vector<16xf32>
      %mul3A_236 = arith.constant 16 : i32
      %mul3A_237 = arith.muli %scan3A_61, %mul3A_236 : i32
      %add3A_238 = arith.constant 3200 : i32
      %add3A_239 = arith.addi %add3A_238, %mul3A_237 : i32
      %get3A_240 = arith.index_cast %add3A_239 : i32 to index
      %get3A_241 = tpu.vector_load %arg10[%get3A_240] {strides = array<i32>} : memref<3328xf32, #tpu.memory_space<vmem>>, vector<16xf32>,
      %add3A_242 = arith.addf %add3A_235, %get3A_241 : vector<16xf32>
      %neg3A = arith.constant 0.000000e+00 : f32
      %neg3A_243 = vector.broadcast %neg3A : f32 to vector<16xf32>
      %neg3A_244 = arith.subf %neg3A_243, %add3A_242 : vector<16xf32>
      %exp3A = math.exp %neg3A_244 : vector<16xf32>
      %add3A_245 = arith.constant 1.000000e+00 : f32
      %add3A_246 = vector.broadcast %add3A_245 : f32 to vector<16xf32>
      %add3A_247 = arith.addf %add3A_246, %exp3A : vector<16xf32>
      %div3A = arith.constant 1.000000e+00 : f32
      %div3A_248 = vector.broadcast %div3A : f32 to vector<16xf32>
      %div3A_249 = arith.divf %div3A_248, %add3A_247 : vector<16xf32>
      %mul3A_250 = arith.constant 16 : i32
      %mul3A_251 = arith.muli %scan3A_61, %mul3A_250 : i32
      %add3A_252 = arith.constant 384 : i32
      %add3A_253 = arith.addi %add3A_252, %mul3A_251 : i32
      %swap3A = arith.index_cast %add3A_253 : i32 to index
      %swap3A_254 = tpu.vector_load %arg12[%swap3A] {strides = array<i32>} : memref<512xf32, #tpu.memory_space<vmem>>, vector<16xf32>,
      tpu.vector_store %arg12[%swap3A], %div3A_249 {strides = array<i32>} : memref<512xf32, #tpu.memory_space<vmem>>, vector<16xf32>,
    }
    %scan3A_58 = arith.constant 8 : i32
    %mul3A_59 = arith.constant 512 : i32
    %mul3A_60 = arith.muli %add3A, %mul3A_59 : i32
    "tpu.region"() ({
      %run_scoped3A = tpu.sem_alloc : memref<!tpu.dma_semaphore, #tpu.memory_space<semaphore_mem>>
      %dma_start3A_61 = tpu.memref_slice %arg5[%mul3A_60] : memref<16384xf32, #tpu.memory_space<hbm>> -> memref<512xf32, #tpu.memory_space<hbm>>
      %dma_start3A_62 = tpu.memref_slice %arg5[%mul3A_60] : memref<16384xf32, #tpu.memory_space<hbm>> -> memref<512xf32, #tpu.memory_space<hbm>>
      tpu.enqueue_dma source(%arg12 : memref<512xf32, #tpu.memory_space<vmem>>) target(%dma_start3A_62 : memref<512xf32, #tpu.memory_space<hbm>>) target_semaphore(%run_scoped3A : memref<!tpu.dma_semaphore, #tpu.memory_space<semaphore_mem>>)
      %dma_wait3A_63 = tpu.memref_slice %arg5[%mul3A_60] : memref<16384xf32, #tpu.memory_space<hbm>> -> memref<512xf32, #tpu.memory_space<hbm>>
      %dma_wait3A_64 = tpu.memref_slice %arg5[%mul3A_60] : memref<16384xf32, #tpu.memory_space<hbm>> -> memref<512xf32, #tpu.memory_space<hbm>>
      tpu.wait_dma2 semaphore(%run_scoped3A : memref<!tpu.dma_semaphore, #tpu.memory_space<semaphore_mem>>) src(%arg12 : memref<512xf32, #tpu.memory_space<vmem>>) dst(%dma_wait3A_64 : memref<512xf32, #tpu.memory_space<hbm>>)
      tpu.yield
    }) : () -> ()
    return
  }
}

</mosaic_0001>

<sc_bundles>
// kernel: kernel.4.cloned.1.call-start
scs
__scs_entry_jumppad:
0x0: {  	(pc) =	sbr.rel $0x88, $3  }
0x1: {  	(tag) =	ssettag $0x0;
	lr =	simm.s32 $0x1  }
0x2: {  	[smem:$0x3F9E] =	sst lr;
	_ =	strace $0xD0000000  }
0x3: {  	_ = 	snop  }
0x4: {  	_ = 	snop  }
0x5: {  	_ = 	snop  }
0x6: {  	_ = 	snop  }
0x7: {  	_ = 	snop  }
__scs_overlays_trampoline_lowered:
0x8: {  	[smem:$0x3FAD] =	sst s0  }
0x9: {  	[smem:$0x3FAE] =	sst s1  }
0xa: {  	[smem:$0x3FAF] =	sst s2  }
0xb: {  	[smem:$0x3FB0] =	sst s3  }
0xc: {  	[smem:$0x3FB1] =	sst s4  }
0xd: {  	[smem:$0x3FB2] =	sst s5  }
0xe: {  	[smem:$0x3FB3] =	sst s6  }
0xf: {  	[smem:$0x3FB4] =	sst s7  }
0x10: {  	[smem:$0x3FB5] =	sst s8  }
0x11: {  	[smem:$0x3FB6] =	sst s9;
	s0 =	simm.s32 @!p0 $0x0  }
0x12: {  	s1 =	sld [smem:$0x3F9C];
	s0 =	simm.s32 @p0 $0x1  }
0x13: {  	[smem:$0x3FB7] =	sst s0;
	s0 =	simm.s32 @!p1 $0x0  }
0x14: {  	s2 =	sld [smem:$0x3F9B];
	s0 =	simm.s32 @p1 $0x1  }
0x15: {  	[smem:$0x3FB8] =	sst s0;
	s0 =	simm.s32 @!p2 $0x0  }
0x16: {  	s3 =	sld [smem:$0x3FDB];
	s0 =	simm.s32 @p2 $0x1  }
0x17: {  	s4 =	simm.s32 $0x1BF5;
	[smem:$0x3FBA] =	sst s0  }
0x18: {  	s0 =	sld [smem:$0x3F9D];
	_ =	swait.ge [sflag:s4], $0x0  }
0x19: {  	s7 =	sld [smem:$0x3F9E]  }
0x1a: {  	s8 =	sadd.s32 $0xFFFFE003, lr  }
0x1b: {  	s9 =	sadd.s32 $0xFFFFFEF7, lr;
	s5 =	simm.s32 $0xFFFFFFFF;
	p2 =	slt.u32 s8, $0xFFFFF086  }
0x1c: {  	p1 =	slt.u32 s9, $0xF7A;
	s5 =	simm.s32 @!p2 $0x0  }
0x1d: {  	s5 =	simm.s32 @p1 $0x1;
	p0 =	seq.s32 s7, s2  }
0x1e: {  	s7 =	smul.u32 @!p0 $0xF7A, s2;
	p2 =	seq.s32 @!p0 s5, $0x0  }
0x1f: {  	s9 =	smul.u32 $0xF7A, s1;
	s8 =	simm.s32 @!p0 $0x1BF5;
	p2 =	por !p2, p0  }
0x20: {  	[sflag:s8] =	ssyncset.s32 @!p0 $0xFFFFF086;
	s6 =	sadd.s32 @!p0 s3, s7;
	s7 =	simm.s32 @!p0 $0x108  }
0x21: {  	s3 =	sadd.s32 s3, s9;
	s6 =	sadd.s32 @!p0 $0x88, s6;
	s7 =	simm.s32 @p2 $0x1082  }
0x22: {  	[simem:s7], [sflag:s8] =	dma.local @!p0 [hbm:s6], $0xF7A  }
0x23: {  	s9 =	sor.u32 $0xD0000000, s2;
	s6 =	simm.s32 $0x108;
	_ =	swait.ge @!p0 [sflag:s8], $0x0  }
0x24: {  	s3 =	sadd.s32 $0x88, s3;
	s6 =	simm.s32 @!p1 $0x1082;
	[sflag:s4] =	ssyncset.s32 $0xFFFFF086  }
0x25: {  	[simem:s6], [sflag:s4] =	dma.local [hbm:s3], $0xF7A  }
0x26: {  	[smem:$0x3F9E] =	sst s1;
	(tag) =	ssettag s2;
	_ =	strace s9  }
0x27: {  	s1 =	sld [smem:$0x3FAE]  }
0x28: {  	s2 =	sld [smem:$0x3FAF]  }
0x29: {  	s4 =	sld [smem:$0x3FB1]  }
0x2a: {  	p0 =	seq.s32 s5, $0x0;
	s5 =	sld [smem:$0x3FB2]  }
0x2b: {  	s6 =	sld [smem:$0x3FB3]  }
0x2c: {  	s7 =	sld [smem:$0x3FB4]  }
0x2d: {  	s3 =	simm.s32 $0x108;
	s8 =	sld [smem:$0x3FB5]  }
0x2e: {  	s3 =	simm.s32 @!p0 $0x1082;
	s9 =	sld [smem:$0x3FB6]  }
0x2f: {  	lr =	sadd.s32 s0, s3;
	s0 =	sld [smem:$0x3FAD]  }
0x30: {  	s3 =	sld [smem:$0x3FB0]  }
0x31: {  	[smem:$0x3FB9] =	sst s10  }
0x32: {  	s10 =	sld [smem:$0x3FB7];
	_ =	sdelay $0x3  }
0x33: {  	p0 =	seq.s32 s10, $0x1;
	s10 =	sld [smem:$0x3FB9];
	_ =	sdelay $0x3  }
0x34: {  	[smem:$0x3FB9] =	sst s10  }
0x35: {  	s10 =	sld [smem:$0x3FB8];
	_ =	sdelay $0x3  }
0x36: {  	p1 =	seq.s32 s10, $0x1;
	s10 =	sld [smem:$0x3FB9];
	_ =	sdelay $0x3  }
0x37: {  	[smem:$0x3FB9] =	sst s10  }
0x38: {  	s10 =	sld [smem:$0x3FBA]  }
0x39: {  	_ = 	snop;
	(pc) =	sbr.ind lr, $3  }
0x3a: {  	_ = 	snop  }
0x3b: {  	_ = 	snop  }
0x3c: {  	p2 =	seq.s32 s10, $0x1;
	s10 =	sld [smem:$0x3FB9]  }
0x3d: {  	_ =	shalt  }
0x3e: {  	_ =	shalt  }
0x3f: {  	_ =	shalt  }
0x40: {  	_ =	shalt  }
0x41: {  	_ =	shalt  }
0x42: {  	_ =	shalt  }
0x43: {  	_ =	shalt  }
0x44: {  	_ =	shalt  }
0x45: {  	_ =	shalt  }
0x46: {  	_ =	shalt  }
0x47: {  	_ =	shalt  }
0x48: {  	_ =	shalt  }
0x49: {  	_ =	shalt  }
0x4a: {  	_ =	shalt  }
0x4b: {  	_ =	shalt  }
0x4c: {  	_ =	shalt  }
0x4d: {  	_ =	shalt  }
0x4e: {  	_ =	shalt  }
0x4f: {  	_ =	shalt  }
0x50: {  	_ =	shalt  }
0x51: {  	_ =	shalt  }
0x52: {  	_ =	shalt  }
0x53: {  	_ =	shalt  }
0x54: {  	_ =	shalt  }
0x55: {  	_ =	shalt  }
0x56: {  	_ =	shalt  }
0x57: {  	_ =	shalt  }
0x58: {  	_ =	shalt  }
0x59: {  	_ =	shalt  }
0x5a: {  	_ =	shalt  }
0x5b: {  	_ =	shalt  }
0x5c: {  	_ =	shalt  }
0x5d: {  	_ =	shalt  }
0x5e: {  	_ =	shalt  }
0x5f: {  	_ =	shalt  }
0x60: {  	_ =	shalt  }
0x61: {  	_ =	shalt  }
0x62: {  	_ =	shalt  }
0x63: {  	_ =	shalt  }
0x64: {  	_ =	shalt  }
0x65: {  	_ =	shalt  }
0x66: {  	_ =	shalt  }
0x67: {  	_ =	shalt  }
0x68: {  	_ =	shalt  }
0x69: {  	_ =	shalt  }
0x6a: {  	_ =	shalt  }
0x6b: {  	_ =	shalt  }
0x6c: {  	_ =	shalt  }
0x6d: {  	_ =	shalt  }
0x6e: {  	_ =	shalt  }
0x6f: {  	_ =	shalt  }
0x70: {  	_ =	shalt  }
0x71: {  	_ =	shalt  }
0x72: {  	_ =	shalt  }
0x73: {  	_ =	shalt  }
0x74: {  	_ =	shalt  }
0x75: {  	_ =	shalt  }
0x76: {  	_ =	shalt  }
0x77: {  	_ =	shalt  }
0x78: {  	_ =	shalt  }
0x79: {  	_ =	shalt  }
0x7a: {  	_ =	shalt  }
0x7b: {  	_ =	shalt  }
0x7c: {  	_ =	shalt  }
0x7d: {  	_ =	shalt  }
0x7e: {  	_ =	shalt  }
0x7f: {  	_ =	shalt  }
0x80: {  	_ =	shalt  }
0x81: {  	_ =	shalt  }
0x82: {  	_ =	shalt  }
0x83: {  	_ =	shalt  }
0x84: {  	_ =	shalt  }
0x85: {  	_ =	shalt  }
0x86: {  	_ =	shalt  }
0x87: {  	_ =	shalt  }
.Lfunc_end0:
.L_simem_size_0:
called_computation_lowered:
.L_overlay_start_0:
0x88: {  	s2 =	sld [smem:$0x3FD9]  }
0x89: {  	s3 =	sld [smem:$0x3FFE];
	_ =	sdelay $0x1  }
0x8a: {  	s1 =	srdreg.scid  }
0x8b: {  	s0 =	sand.u32 $0x1, s1  }
0x8c: {  	s16 =	sshll.u32 s0, $0xA;
	s2 =	sadd.s32 s3, s2  }
0x8d: {  	s2 =	sadd.s32 s2, s16  }
0x8e: {  	[smem:$0x3FC5] =	sst s2  }
0x8f: {  	_ = 	snop  }
0x90: {  	(tm) =	ssettm $0x1  }
0x91: {  	s17 =	sld [smem:$0x3FFB];
	_ =	sdelay $0x3  }
0x92: {  	_ =	strace s17  }
0x93: {  	s2 =	sld [smem:$0x3FFC];
	_ =	sdelay $0x3  }
0x94: {  	_ =	strace s2  }
0x95: {  	s2 =	sld [smem:$0x3FFD];
	_ =	sdelay $0x3  }
0x96: {  	_ =	strace s2  }
0x97: {  	_ =	strace $0x8FFFFFFF  }
0x98: {  	s18 =	sld [smem:$0x3FDB];
	_ =	sdelay $0x1  }
0x99: {  	s19 =	simm.s32 $_scs_section_size  }
0x9a: {  	s4 =	simm.s32 $_size__tile_overlayer_lowered;
	s5 =	simm.s32 $_tile_overlayer_lowered  }
0x9b: {  	s22 =	simm.s32 $0x1BFF;
	s21 =	sshll.u32 s5, $0x1;
	s2 =	sadd.s32 s19, s18  }
0x9c: {  	s6 =	simm.s32 $0x0;
	s20 =	sshll.u32 s4, $0x1;
	s4 =	sadd.s32 s21, s2  }
0x9d: {  	[timem:s6], [sflag:s22] =	dma.local [hbm:s4], s20  }
0x9e: {  	_ =	swait.ge [sflag:s22], s20  }
0x9f: {  	s3 =	ssub.s32 $0x0, s20;
	[sflag:s22] =	ssyncset.done $0x0  }
0xa0: {  	[sflag:s22] =	ssyncadd.s32 s3;
	_ =	sdelay $0x1  }
0xa1: {  	s23 =	simm.s32 $0x1B8B  }
0xa2: {  	_ =	swait.ge [sflag:s23], $0x1  }
0xa3: {  	[sflag:s23] =	ssyncset.done $0x0  }
0xa4: {  	s25 =	simm.s32 $0x1B8E;
	s24 =	sld [smem:$0x3FFE];
	[sflag:s23] =	ssyncadd.s32 $0xFFFFFFFF  }
0xa5: {  	s26 =	simm.s32 $execute0_lowered;
	[smem:$0x3FD2] =	sst s25  }
0xa6: {  	s4 =	sshll.u32 s26, $0x1;
	_ =	strace $0x80000046;
	[dreg:$0x1] =	wrdreg $0xFFFFFFFF  }
0xa7: {  	s28 =	simm.s32 $_size_execute0_lowered;
	s2 =	sadd.s32 s2, s4;
	[dreg:$0x0] =	wrdreg $0x0  }
0xa8: {  	s4 =	sshll.u32 s28, $0x1;
	[dreg:$0x2] =	wrdreg s2  }
0xa9: {  	[dreg:$0x3] =	wrdreg s4  }
0xaa: {  	[dreg:$0x4] =	wrdreg $0xC0  }
0xab: {  	_ =	task [dreg:s6], $0x5FFFF  }
0xac: {  	[dreg:$0x1] =	wrdreg $0xFFFFFFFF  }
0xad: {  	[dreg:$0x0] =	wrdreg $0x60  }
0xae: {  	[dreg:$0x2] =	wrdreg s24  }
0xaf: {  	[dreg:$0x3] =	wrdreg $0x9  }
0xb0: {  	_ =	task.clear_ibuf [dreg:s6], $0x4FFFF;
	_ =	strace $0x90000046  }
0xb1: {  	s29 =	simm.s32 $0x9;
	_ =	strace $0x80000048  }
0xb2: {  	_ =	swait.ge [sflag:s29], $0x1  }
0xb3: {  	[sflag:s29] =	ssyncadd.s32 $0xFFFFFFFF  }
0xb4: {  	_ =	strace $0x90000048  }
0xb5: {  	_ =	sfence  }
0xb6: {  	s30 =	sld [smem:$0x0];
	_ =	sdelay $0x2  }
0xb7: {  	s31 =	sshll.u32 s1, $0xD;
	s1 =	sshrl.u32 s1, $0x2  }
0xb8: {  	s3 =	sand.u32 $0x4000, s31;
	s1 =	sadd.s32 s1, s30  }
0xb9: {  	s0 =	sor.u32 s3, s0;
	s1 =	sshll.u32 s1, $0x11  }
0xba: {  	s0 =	sor.u32 s1, s0  }
0xbb: {  	s0 =	sadd.s32 $0x8F2B, s0  }
0xbc: {  	[sflag:s0] =	ssyncadd.remote.s32 $0x1  }
0xbd: {  	_ =	sfence.sel $0xFFFF  }
0xbe: {  	[dreg:$0x0] =	wrdreg $0xFFFFFFFF;
	(pc) =	sbr.abs _section_cstart, $3  }
0xbf: {  	[dreg:$0x1] =	wrdreg $0xFFFFFFFF  }
0xc0: {  	_ =	task.clear_ibuf [dreg:s6], $0x2FFFF;
	_ =	strace $0x9FFFFFFF  }
0xc1: {  	(tm) =	ssettm $0x7FFFFFFF  }
tec
execute0_lowered:
.L_overlay_start_1:
0x0: {  	(tag) =	ssettag $0x1  }
0x1: {  	s1 =	srdreg.scid;
	s0 =	stileid.u32  }
0x2: {  	s3 =	rddreg [dreg:$0x0];
	s2 =	simm.s32 $0x0;
	s8 =	simm.s32 $0x0  }
0x3: {  	s4 =	sand.u32 $0x1, s1;
	s5 =	sshll.u32 s0, $0x1;
	s1 =	rddreg [dreg:$0x1]  }
0x4: {  	[smem:$0x7FF] =	sst s2;
	s5 =	sor.u32 s4, s5;
	s4 =	ssub.s32 $0x2, s4  }
0x5: {  	s6 =	smul.u32 $0x680, s5;
	s5 =	sshll.u32 s5, $0xD;
	s7 =	sshrl.u32 s4, $0x1  }
0x6: {  	_ =	strace $0x80000047;
	s5 =	sadd.s32 s5, s3;
	s7 =	ssub.s32 s4, s7  }
0x7: {  	v0 =	vlaneseq.u32;
	s6 =	sadd.s32 s6, s3;
	s3 =	sadd.s32 $0x600, s5;
	s5 =	smax.u32 s7, $0x1  }
0x8: {  	v0 =	vmul.u32 $0x80, v0;
	s7 =	simm.s32 $0x10000;
	s4 =	sadd.s32 $0x40600, s6;
	s6 =	simm.s32 $0x1  }
.LBB2_1:
0x9: {  	v1 =	vmov s2  }
0xa: {  	v1 =	vshll.u32 v1, $0x7  }
0xb: {  	v1 =	vor.u32 v0, v1  }
0xc: {  	[tilespmem:s2], [sflag:$0x1] =	stream.linear.gather [hbm4b:s3+s2], $0x10000, $0x38;
	[tilespmem:$0x13400] =	vst v63  }
0xd: {  	_ =	swait.ge [sflag:s6], $0x10000  }
0xe: {  	[sflag:s6] =	ssyncset.done $0x0  }
0xf: {  	s9 =	simm.s32 $0x0;
	[sflag:s6] =	ssyncadd.s32 $0xFFFF0000  }
0x10: {  	s9 =	smul.u32 $0xC80, s9;
	v2 =	vld.idx.msk [tilespmem:v1+s2+$0x0], $0xffff  }
0x11: {  	v3 =	vor.u32 $0x1, v1  }
0x12: {  	s9 =	sadd.s32 $0x0, s9  }
0x13: {  	s10 =	sand.u32 $0x70, s2;
	s9 =	sand.u32 $0xFFFFFF80, s9  }
0x14: {  	s9 =	sor.u32 s10, s9  }
0x15: {  	[tilespmem:s9+$0x10000] =	vst v2  }
0x16: {  	v2 =	vld.idx.msk [tilespmem:v3+s2+$0x0], $0xffff  }
0x17: {  	v3 =	vor.u32 $0x2, v1;
	_ =	sdelay $0x3  }
0x18: {  	[tilespmem:s9+$0x10080] =	vst v2  }
0x19: {  	v2 =	vld.idx.msk [tilespmem:v3+s2+$0x0], $0xffff  }
0x1a: {  	v3 =	vor.u32 $0x3, v1;
	_ =	sdelay $0x3  }
0x1b: {  	[tilespmem:s9+$0x10100] =	vst v2  }
0x1c: {  	v2 =	vld.idx.msk [tilespmem:v3+s2+$0x0], $0xffff  }
0x1d: {  	v3 =	vor.u32 $0x4, v1;
	_ =	sdelay $0x3  }
0x1e: {  	[tilespmem:s9+$0x10180] =	vst v2  }
0x1f: {  	v2 =	vld.idx.msk [tilespmem:v3+s2+$0x0], $0xffff  }
0x20: {  	v3 =	vor.u32 $0x5, v1;
	_ =	sdelay $0x3  }
0x21: {  	[tilespmem:s9+$0x10200] =	vst v2  }
0x22: {  	v2 =	vld.idx.msk [tilespmem:v3+s2+$0x0], $0xffff  }
0x23: {  	v3 =	vor.u32 $0x6, v1;
	_ =	sdelay $0x3  }
0x24: {  	[tilespmem:s9+$0x10280] =	vst v2  }
0x25: {  	v2 =	vld.idx.msk [tilespmem:v3+s2+$0x0], $0xffff  }
0x26: {  	v3 =	vor.u32 $0x7, v1;
	_ =	sdelay $0x3  }
0x27: {  	[tilespmem:s9+$0x10300] =	vst v2  }
0x28: {  	v2 =	vld.idx.msk [tilespmem:v3+s2+$0x0], $0xffff  }
0x29: {  	v3 =	vor.u32 $0x8, v1;
	_ =	sdelay $0x3  }
0x2a: {  	[tilespmem:s9+$0x10380] =	vst v2  }
0x2b: {  	v2 =	vld.idx.msk [tilespmem:v3+s2+$0x0], $0xffff  }
0x2c: {  	v3 =	vor.u32 $0x9, v1;
	_ =	sdelay $0x3  }
0x2d: {  	[tilespmem:s9+$0x10400] =	vst v2  }
0x2e: {  	v2 =	vld.idx.msk [tilespmem:v3+s2+$0x0], $0xffff  }
0x2f: {  	v3 =	vor.u32 $0xA, v1;
	_ =	sdelay $0x3  }
0x30: {  	[tilespmem:s9+$0x10480] =	vst v2  }
0x31: {  	v2 =	vld.idx.msk [tilespmem:v3+s2+$0x0], $0xffff  }
0x32: {  	v3 =	vor.u32 $0xB, v1;
	_ =	sdelay $0x3  }
0x33: {  	[tilespmem:s9+$0x10500] =	vst v2  }
0x34: {  	v2 =	vld.idx.msk [tilespmem:v3+s2+$0x0], $0xffff  }
0x35: {  	v3 =	vor.u32 $0xC, v1;
	_ =	sdelay $0x3  }
0x36: {  	[tilespmem:s9+$0x10580] =	vst v2  }
0x37: {  	v2 =	vld.idx.msk [tilespmem:v3+s2+$0x0], $0xffff  }
0x38: {  	v3 =	vor.u32 $0xD, v1;
	_ =	sdelay $0x3  }
0x39: {  	[tilespmem:s9+$0x10600] =	vst v2  }
0x3a: {  	v2 =	vld.idx.msk [tilespmem:v3+s2+$0x0], $0xffff  }
0x3b: {  	v3 =	vor.u32 $0xE, v1;
	_ =	sdelay $0x3  }
0x3c: {  	[tilespmem:s9+$0x10680] =	vst v2  }
0x3d: {  	v2 =	vld.idx.msk [tilespmem:v3+s2+$0x0], $0xffff  }
0x3e: {  	v3 =	vor.u32 $0xF, v1;
	_ =	sdelay $0x3  }
0x3f: {  	[tilespmem:s9+$0x10700] =	vst v2  }
0x40: {  	v2 =	vld.idx.msk [tilespmem:v3+s2+$0x0], $0xffff  }
0x41: {  	v3 =	vor.u32 $0x10, v1;
	_ =	sdelay $0x3  }
0x42: {  	[tilespmem:s9+$0x10780] =	vst v2  }
0x43: {  	v2 =	vld.idx.msk [tilespmem:v3+s2+$0x0], $0xffff  }
0x44: {  	v3 =	vor.u32 $0x11, v1;
	_ =	sdelay $0x3  }
0x45: {  	[tilespmem:s9+$0x10800] =	vst v2  }
0x46: {  	v2 =	vld.idx.msk [tilespmem:v3+s2+$0x0], $0xffff  }
0x47: {  	v3 =	vor.u32 $0x12, v1;
	_ =	sdelay $0x3  }
0x48: {  	[tilespmem:s9+$0x10880] =	vst v2  }
0x49: {  	v2 =	vld.idx.msk [tilespmem:v3+s2+$0x0], $0xffff  }
0x4a: {  	v3 =	vor.u32 $0x13, v1;
	_ =	sdelay $0x3  }
0x4b: {  	[tilespmem:s9+$0x10900] =	vst v2  }
0x4c: {  	v2 =	vld.idx.msk [tilespmem:v3+s2+$0x0], $0xffff  }
0x4d: {  	v3 =	vor.u32 $0x14, v1;
	_ =	sdelay $0x3  }
0x4e: {  	[tilespmem:s9+$0x10980] =	vst v2  }
0x4f: {  	v2 =	vld.idx.msk [tilespmem:v3+s2+$0x0], $0xffff  }
0x50: {  	v3 =	vor.u32 $0x15, v1;
	_ =	sdelay $0x3  }
0x51: {  	[tilespmem:s9+$0x10A00] =	vst v2  }
0x52: {  	v2 =	vld.idx.msk [tilespmem:v3+s2+$0x0], $0xffff  }
0x53: {  	v3 =	vor.u32 $0x16, v1;
	_ =	sdelay $0x3  }
0x54: {  	[tilespmem:s9+$0x10A80] =	vst v2  }
0x55: {  	v2 =	vld.idx.msk [tilespmem:v3+s2+$0x0], $0xffff  }
0x56: {  	v3 =	vor.u32 $0x17, v1;
	_ =	sdelay $0x3  }
0x57: {  	[tilespmem:s9+$0x10B00] =	vst v2  }
0x58: {  	v2 =	vld.idx.msk [tilespmem:v3+s2+$0x0], $0xffff  }
0x59: {  	v3 =	vor.u32 $0x18, v1;
	_ =	sdelay $0x3  }
0x5a: {  	[tilespmem:s9+$0x10B80] =	vst v2  }
0x5b: {  	v2 =	vld.idx.msk [tilespmem:v3+s2+$0x0], $0xffff  }
0x5c: {  	v3 =	vor.u32 $0x19, v1;
	_ =	sdelay $0x3  }
0x5d: {  	s10 =	simm.s32 $0x10;
	[tilespmem:s9+$0x10C00] =	vst v2  }
0x5e: {  	s11 =	simm.s32 $0x1;
	s12 =	simm.s32 $0x2;
	v1 =	vmov s10;
	v2 =	vld.idx.msk [tilespmem:v3+s2+$0x0], $0xffff  }
.LBB2_2:
0x5f: {  	p0 =	sne.s32 s12, $0x1F;
	v1 =	vshll.u32 v1, $0x7  }
0x60: {  	v1 =	vor.u32 v0, v1;
	_ =	sdelay $0x3  }
0x61: {  	[tilespmem:s9+$0x10C80] =	vst v2  }
0x62: {  	s9 =	sshrl.u32 s11, $0x3;
	s11 =	smov.u32 s12;
	v2 =	vld.idx.msk [tilespmem:v1+s2+$0x0], $0xffff  }
0x63: {  	s9 =	smul.u32 $0xC80, s9  }
0x64: {  	v3 =	vor.u32 $0x1, v1  }
0x65: {  	s9 =	sadd.s32 s9, s10  }
0x66: {  	s13 =	sand.u32 $0x70, s10;
	s9 =	sand.u32 $0xFFFFFF80, s9  }
0x67: {  	s9 =	sor.u32 s13, s9  }
0x68: {  	[tilespmem:s9+$0x10000] =	vst v2  }
0x69: {  	v2 =	vld.idx.msk [tilespmem:v3+s2+$0x0], $0xffff;
	_ =	sdelay $0x1  }
0x6a: {  	v3 =	vor.u32 $0x2, v1;
	_ =	sdelay $0x3  }
0x6b: {  	[tilespmem:s9+$0x10080] =	vst v2  }
0x6c: {  	v2 =	vld.idx.msk [tilespmem:v3+s2+$0x0], $0xffff;
	_ =	sdelay $0x1  }
0x6d: {  	v3 =	vor.u32 $0x3, v1;
	_ =	sdelay $0x3  }
0x6e: {  	[tilespmem:s9+$0x10100] =	vst v2  }
0x6f: {  	v2 =	vld.idx.msk [tilespmem:v3+s2+$0x0], $0xffff;
	_ =	sdelay $0x1  }
0x70: {  	v3 =	vor.u32 $0x4, v1;
	_ =	sdelay $0x3  }
0x71: {  	[tilespmem:s9+$0x10180] =	vst v2  }
0x72: {  	v2 =	vld.idx.msk [tilespmem:v3+s2+$0x0], $0xffff;
	_ =	sdelay $0x1  }
0x73: {  	v3 =	vor.u32 $0x5, v1;
	_ =	sdelay $0x3  }
0x74: {  	[tilespmem:s9+$0x10200] =	vst v2  }
0x75: {  	v2 =	vld.idx.msk [tilespmem:v3+s2+$0x0], $0xffff;
	_ =	sdelay $0x1  }
0x76: {  	v3 =	vor.u32 $0x6, v1;
	_ =	sdelay $0x3  }
0x77: {  	[tilespmem:s9+$0x10280] =	vst v2  }
0x78: {  	v2 =	vld.idx.msk [tilespmem:v3+s2+$0x0], $0xffff;
	_ =	sdelay $0x1  }
0x79: {  	v3 =	vor.u32 $0x7, v1;
	_ =	sdelay $0x3  }
0x7a: {  	[tilespmem:s9+$0x10300] =	vst v2  }
0x7b: {  	v2 =	vld.idx.msk [tilespmem:v3+s2+$0x0], $0xffff;
	_ =	sdelay $0x1  }
0x7c: {  	v3 =	vor.u32 $0x8, v1;
	_ =	sdelay $0x3  }
0x7d: {  	[tilespmem:s9+$0x10380] =	vst v2  }
0x7e: {  	v2 =	vld.idx.msk [tilespmem:v3+s2+$0x0], $0xffff;
	_ =	sdelay $0x1  }
0x7f: {  	v3 =	vor.u32 $0x9, v1;
	_ =	sdelay $0x3  }
0x80: {  	[tilespmem:s9+$0x10400] =	vst v2  }
0x81: {  	v2 =	vld.idx.msk [tilespmem:v3+s2+$0x0], $0xffff;
	_ =	sdelay $0x1  }
0x82: {  	v3 =	vor.u32 $0xA, v1;
	_ =	sdelay $0x3  }
0x83: {  	[tilespmem:s9+$0x10480] =	vst v2  }
0x84: {  	v2 =	vld.idx.msk [tilespmem:v3+s2+$0x0], $0xffff;
	_ =	sdelay $0x1  }
0x85: {  	v3 =	vor.u32 $0xB, v1;
	_ =	sdelay $0x3  }
0x86: {  	[tilespmem:s9+$0x10500] =	vst v2  }
0x87: {  	v2 =	vld.idx.msk [tilespmem:v3+s2+$0x0], $0xffff;
	_ =	sdelay $0x1  }
0x88: {  	v3 =	vor.u32 $0xC, v1;
	_ =	sdelay $0x3  }
0x89: {  	[tilespmem:s9+$0x10580] =	vst v2  }
0x8a: {  	v2 =	vld.idx.msk [tilespmem:v3+s2+$0x0], $0xffff;
	_ =	sdelay $0x1  }
0x8b: {  	v3 =	vor.u32 $0xD, v1;
	_ =	sdelay $0x3  }
0x8c: {  	[tilespmem:s9+$0x10600] =	vst v2  }
0x8d: {  	v2 =	vld.idx.msk [tilespmem:v3+s2+$0x0], $0xffff;
	_ =	sdelay $0x1  }
0x8e: {  	v3 =	vor.u32 $0xE, v1;
	_ =	sdelay $0x3  }
0x8f: {  	[tilespmem:s9+$0x10680] =	vst v2  }
0x90: {  	v2 =	vld.idx.msk [tilespmem:v3+s2+$0x0], $0xffff;
	_ =	sdelay $0x1  }
0x91: {  	v3 =	vor.u32 $0xF, v1;
	_ =	sdelay $0x3  }
0x92: {  	[tilespmem:s9+$0x10700] =	vst v2  }
0x93: {  	v2 =	vld.idx.msk [tilespmem:v3+s2+$0x0], $0xffff;
	_ =	sdelay $0x1  }
0x94: {  	v3 =	vor.u32 $0x10, v1;
	_ =	sdelay $0x3  }
0x95: {  	[tilespmem:s9+$0x10780] =	vst v2  }
0x96: {  	v2 =	vld.idx.msk [tilespmem:v3+s2+$0x0], $0xffff;
	_ =	sdelay $0x1  }
0x97: {  	v3 =	vor.u32 $0x11, v1;
	_ =	sdelay $0x3  }
0x98: {  	[tilespmem:s9+$0x10800] =	vst v2  }
0x99: {  	v2 =	vld.idx.msk [tilespmem:v3+s2+$0x0], $0xffff;
	_ =	sdelay $0x1  }
0x9a: {  	v3 =	vor.u32 $0x12, v1;
	_ =	sdelay $0x3  }
0x9b: {  	[tilespmem:s9+$0x10880] =	vst v2  }
0x9c: {  	v2 =	vld.idx.msk [tilespmem:v3+s2+$0x0], $0xffff;
	_ =	sdelay $0x1  }
0x9d: {  	v3 =	vor.u32 $0x13, v1;
	_ =	sdelay $0x3  }
0x9e: {  	[tilespmem:s9+$0x10900] =	vst v2  }
0x9f: {  	v2 =	vld.idx.msk [tilespmem:v3+s2+$0x0], $0xffff;
	_ =	sdelay $0x1  }
0xa0: {  	v3 =	vor.u32 $0x14, v1;
	_ =	sdelay $0x3  }
0xa1: {  	[tilespmem:s9+$0x10980] =	vst v2  }
0xa2: {  	v2 =	vld.idx.msk [tilespmem:v3+s2+$0x0], $0xffff;
	_ =	sdelay $0x1  }
0xa3: {  	v3 =	vor.u32 $0x15, v1;
	_ =	sdelay $0x3  }
0xa4: {  	[tilespmem:s9+$0x10A00] =	vst v2  }
0xa5: {  	v2 =	vld.idx.msk [tilespmem:v3+s2+$0x0], $0xffff;
	_ =	sdelay $0x1  }
0xa6: {  	v3 =	vor.u32 $0x16, v1;
	_ =	sdelay $0x3  }
0xa7: {  	[tilespmem:s9+$0x10A80] =	vst v2  }
0xa8: {  	v2 =	vld.idx.msk [tilespmem:v3+s2+$0x0], $0xffff;
	_ =	sdelay $0x1  }
0xa9: {  	v3 =	vor.u32 $0x17, v1;
	_ =	sdelay $0x3  }
0xaa: {  	[tilespmem:s9+$0x10B00] =	vst v2  }
0xab: {  	v2 =	vld.idx.msk [tilespmem:v3+s2+$0x0], $0xffff;
	_ =	sdelay $0x1  }
0xac: {  	v3 =	vor.u32 $0x18, v1;
	_ =	sdelay $0x3  }
0xad: {  	[tilespmem:s9+$0x10B80] =	vst v2  }
0xae: {  	v2 =	vld.idx.msk [tilespmem:v3+s2+$0x0], $0xffff;
	_ =	sdelay $0x1  }
0xaf: {  	v3 =	vor.u32 $0x19, v1  }
.Ltmp0:
0xb0: {  	(pc) =	sbr.rel @p0 .LBB2_2-.Ltmp0, $3  }
0xb1: {  	_ =	sdelay $0x1  }
0xb2: {  	s10 =	sadd.s32 $0x10, s10;
	[tilespmem:s9+$0x10C00] =	vst v2  }
0xb3: {  	s12 =	sadd.s32 $0x1, s12;
	v1 =	vmov s10;
	v2 =	vld.idx.msk [tilespmem:v3+s2+$0x0], $0xffff  }
0xb4: {  	v1 =	vshll.u32 v1, $0x7  }
0xb5: {  	v1 =	vor.u32 v0, v1;
	_ =	sdelay $0x3  }
0xb6: {  	s30 =	sshrl.u32 s11, $0x3;
	[tilespmem:s9+$0x10C80] =	vst v2  }
0xb7: {  	s9 =	smul.u32 $0xC80, s30;
	v2 =	vld.idx.msk [tilespmem:v1+s2+$0x0], $0xffff  }
0xb8: {  	v3 =	vor.u32 $0x1, v1  }
0xb9: {  	s9 =	sadd.s32 s9, s10  }
0xba: {  	s31 =	sand.u32 $0x70, s10;
	s9 =	sand.u32 $0xFFFFFF80, s9  }
0xbb: {  	s9 =	sor.u32 s31, s9  }
0xbc: {  	[tilespmem:s9+$0x10000] =	vst v2  }
0xbd: {  	v2 =	vld.idx.msk [tilespmem:v3+s2+$0x0], $0xffff  }
0xbe: {  	v3 =	vor.u32 $0x2, v1;
	_ =	sdelay $0x3  }
0xbf: {  	[tilespmem:s9+$0x10080] =	vst v2  }
0xc0: {  	v2 =	vld.idx.msk [tilespmem:v3+s2+$0x0], $0xffff  }
0xc1: {  	v3 =	vor.u32 $0x3, v1;
	_ =	sdelay $0x3  }
0xc2: {  	[tilespmem:s9+$0x10100] =	vst v2  }
0xc3: {  	v2 =	vld.idx.msk [tilespmem:v3+s2+$0x0], $0xffff  }
0xc4: {  	v3 =	vor.u32 $0x4, v1;
	_ =	sdelay $0x3  }
0xc5: {  	[tilespmem:s9+$0x10180] =	vst v2  }
0xc6: {  	v2 =	vld.idx.msk [tilespmem:v3+s2+$0x0], $0xffff  }
0xc7: {  	v3 =	vor.u32 $0x5, v1;
	_ =	sdelay $0x3  }
0xc8: {  	[tilespmem:s9+$0x10200] =	vst v2  }
0xc9: {  	v2 =	vld.idx.msk [tilespmem:v3+s2+$0x0], $0xffff  }
0xca: {  	v3 =	vor.u32 $0x6, v1;
	_ =	sdelay $0x3  }
0xcb: {  	[tilespmem:s9+$0x10280] =	vst v2  }
0xcc: {  	v2 =	vld.idx.msk [tilespmem:v3+s2+$0x0], $0xffff  }
0xcd: {  	v3 =	vor.u32 $0x7, v1;
	_ =	sdelay $0x3  }
0xce: {  	[tilespmem:s9+$0x10300] =	vst v2  }
0xcf: {  	v2 =	vld.idx.msk [tilespmem:v3+s2+$0x0], $0xffff  }
0xd0: {  	v3 =	vor.u32 $0x8, v1;
	_ =	sdelay $0x3  }
0xd1: {  	[tilespmem:s9+$0x10380] =	vst v2  }
0xd2: {  	v2 =	vld.idx.msk [tilespmem:v3+s2+$0x0], $0xffff  }
0xd3: {  	v3 =	vor.u32 $0x9, v1;
	_ =	sdelay $0x3  }
0xd4: {  	[tilespmem:s9+$0x10400] =	vst v2  }
0xd5: {  	v2 =	vld.idx.msk [tilespmem:v3+s2+$0x0], $0xffff  }
0xd6: {  	v3 =	vor.u32 $0xA, v1;
	_ =	sdelay $0x3  }
0xd7: {  	[tilespmem:s9+$0x10480] =	vst v2  }
0xd8: {  	v2 =	vld.idx.msk [tilespmem:v3+s2+$0x0], $0xffff  }
0xd9: {  	v3 =	vor.u32 $0xB, v1;
	_ =	sdelay $0x3  }
0xda: {  	[tilespmem:s9+$0x10500] =	vst v2  }
0xdb: {  	v2 =	vld.idx.msk [tilespmem:v3+s2+$0x0], $0xffff  }
0xdc: {  	v3 =	vor.u32 $0xC, v1;
	_ =	sdelay $0x3  }
0xdd: {  	[tilespmem:s9+$0x10580] =	vst v2  }
0xde: {  	v2 =	vld.idx.msk [tilespmem:v3+s2+$0x0], $0xffff  }
0xdf: {  	v3 =	vor.u32 $0xD, v1;
	_ =	sdelay $0x3  }
0xe0: {  	[tilespmem:s9+$0x10600] =	vst v2  }
0xe1: {  	v2 =	vld.idx.msk [tilespmem:v3+s2+$0x0], $0xffff  }
0xe2: {  	v3 =	vor.u32 $0xE, v1;
	_ =	sdelay $0x3  }
0xe3: {  	[tilespmem:s9+$0x10680] =	vst v2  }
0xe4: {  	v2 =	vld.idx.msk [tilespmem:v3+s2+$0x0], $0xffff  }
0xe5: {  	v3 =	vor.u32 $0xF, v1;
	_ =	sdelay $0x3  }
0xe6: {  	[tilespmem:s9+$0x10700] =	vst v2  }
0xe7: {  	v2 =	vld.idx.msk [tilespmem:v3+s2+$0x0], $0xffff  }
0xe8: {  	v3 =	vor.u32 $0x10, v1;
	_ =	sdelay $0x3  }
0xe9: {  	[tilespmem:s9+$0x10780] =	vst v2  }
0xea: {  	v2 =	vld.idx.msk [tilespmem:v3+s2+$0x0], $0xffff  }
0xeb: {  	v3 =	vor.u32 $0x11, v1;
	_ =	sdelay $0x3  }
0xec: {  	[tilespmem:s9+$0x10800] =	vst v2  }
0xed: {  	v2 =	vld.idx.msk [tilespmem:v3+s2+$0x0], $0xffff  }
0xee: {  	v3 =	vor.u32 $0x12, v1;
	_ =	sdelay $0x3  }
0xef: {  	[tilespmem:s9+$0x10880] =	vst v2  }
0xf0: {  	v2 =	vld.idx.msk [tilespmem:v3+s2+$0x0], $0xffff  }
0xf1: {  	v3 =	vor.u32 $0x13, v1;
	_ =	sdelay $0x3  }
0xf2: {  	[tilespmem:s9+$0x10900] =	vst v2  }
0xf3: {  	v2 =	vld.idx.msk [tilespmem:v3+s2+$0x0], $0xffff  }
0xf4: {  	v3 =	vor.u32 $0x14, v1;
	_ =	sdelay $0x3  }
0xf5: {  	[tilespmem:s9+$0x10980] =	vst v2  }
0xf6: {  	v2 =	vld.idx.msk [tilespmem:v3+s2+$0x0], $0xffff  }
0xf7: {  	v3 =	vor.u32 $0x15, v1;
	_ =	sdelay $0x3  }
0xf8: {  	[tilespmem:s9+$0x10A00] =	vst v2  }
0xf9: {  	v2 =	vld.idx.msk [tilespmem:v3+s2+$0x0], $0xffff  }
0xfa: {  	v3 =	vor.u32 $0x16, v1;
	_ =	sdelay $0x3  }
0xfb: {  	[tilespmem:s9+$0x10A80] =	vst v2  }
0xfc: {  	v2 =	vld.idx.msk [tilespmem:v3+s2+$0x0], $0xffff  }
0xfd: {  	v3 =	vor.u32 $0x17, v1;
	_ =	sdelay $0x3  }
0xfe: {  	[tilespmem:s9+$0x10B00] =	vst v2  }
0xff: {  	v2 =	vld.idx.msk [tilespmem:v3+s2+$0x0], $0xffff  }
0x100: {  	v3 =	vor.u32 $0x18, v1;
	_ =	sdelay $0x3  }
0x101: {  	[tilespmem:s9+$0x10B80] =	vst v2  }
0x102: {  	v2 =	vld.idx.msk [tilespmem:v3+s2+$0x0], $0xffff  }
0x103: {  	v1 =	vor.u32 $0x19, v1;
	_ =	sdelay $0x3  }
0x104: {  	[tilespmem:s9+$0x10C00] =	vst v2  }
0x105: {  	v1 =	vld.idx.msk [tilespmem:v1+s2+$0x0], $0xffff;
	_ =	sdelay $0x2  }
0x106: {  	s8 =	sadd.s32 $0x1, s8  }
0x107: {  	p0 =	sne.s32 s8, s5  }
.Ltmp1:
0x108: {  	[tilespmem:s9+$0x10C80] =	vst v1;
	(pc) =	sbr.rel @p0 .LBB2_1-.Ltmp1, $4  }
0x109: {  	[hbm4b:s4+s2] =	stream.linear.scatter [tilespmem:s7], [sflag:$0x1], $0x3400, $0x38;
	[tilespmem:$0x13400] =	vst v63  }
0x10a: {  	_ =	swait.ge [sflag:s6], $0x3400  }
0x10b: {  	[sflag:s6] =	ssyncset.done $0x0  }
0x10c: {  	[sflag:s6] =	ssyncadd.s32 $0xFFFFCC00  }
0x10d: {  	_ =	sfence.sel $0x180000  }
0x10e: {  	[bflag:$0x0] =	sbarrier.arrive $0xFFFF  }
0x10f: {  	p0 =	sne.s32 s0, $0x0;
	_ =	strace $0x90000047  }
0x110: {  	s0 =	sadd.s32 @!p0 $0x100000, s1;
	[bflag:$0x2] =	sbarrier.arrive $0xFFFF  }
0x111: {  	[sflag:s0] =	ssyncadd.tile.s32 @!p0 $0x1;
	_ =	shalt  }
.Lfunc_end2:
_tile_overlayer_lowered:
.L_overlay_start_2:
0x112: {  	(tag) =	ssettag $0x2  }
0x113: {  	s0 =	rddreg [dreg:$0x0];
	s2 =	stileid.u32  }
0x114: {  	s1 =	rddreg [dreg:$0x1];
	p0 =	sne.s32 s2, $0x0  }
0x115: {  	s3 =	rddreg [dreg:$0x2];
	[bflag:$0x3] =	sbarrier.arrive $0xFFFF;
	s2 =	simm.s32 @!p0 $0x1C01  }
0x116: {  	[timem:s3], [sflag:s2] =	dma.local @!p0 [hbm:s0], s1  }
0x117: {  	s0 =	simm.s32 @!p0 $0x1  }
0x118: {  	_ =	swait.ge @!p0 [sflag:s0], s1  }
0x119: {  	s1 =	ssub.s32 @!p0 $0x0, s1;
	[sflag:s0] =	ssyncset.done @!p0 $0x0  }
0x11a: {  	[sflag:s0] =	ssyncadd.s32 @!p0 s1  }
0x11b: {  	[bflag:$0x3] =	sbarrier.arrive $0xFFFF  }
0x11c: {  	_ =	shalt  }

// kernel: kernel.7.cloned.1.call-start
scs
__scs_entry_jumppad:
0x0: {  	(pc) =	sbr.rel $0x88, $3  }
0x1: {  	(tag) =	ssettag $0x0;
	lr =	simm.s32 $0x1  }
0x2: {  	[smem:$0x3F9E] =	sst lr;
	_ =	strace $0xD0000000  }
0x3: {  	_ = 	snop  }
0x4: {  	_ = 	snop  }
0x5: {  	_ = 	snop  }
0x6: {  	_ = 	snop  }
0x7: {  	_ = 	snop  }
__scs_overlays_trampoline_lowered:
0x8: {  	[smem:$0x3FAD] =	sst s0  }
0x9: {  	[smem:$0x3FAE] =	sst s1  }
0xa: {  	[smem:$0x3FAF] =	sst s2  }
0xb: {  	[smem:$0x3FB0] =	sst s3  }
0xc: {  	[smem:$0x3FB1] =	sst s4  }
0xd: {  	[smem:$0x3FB2] =	sst s5  }
0xe: {  	[smem:$0x3FB3] =	sst s6  }
0xf: {  	[smem:$0x3FB4] =	sst s7  }
0x10: {  	[smem:$0x3FB5] =	sst s8  }
0x11: {  	[smem:$0x3FB6] =	sst s9;
	s0 =	simm.s32 @!p0 $0x0  }
0x12: {  	s1 =	sld [smem:$0x3F9C];
	s0 =	simm.s32 @p0 $0x1  }
0x13: {  	[smem:$0x3FB7] =	sst s0;
	s0 =	simm.s32 @!p1 $0x0  }
0x14: {  	s2 =	sld [smem:$0x3F9B];
	s0 =	simm.s32 @p1 $0x1  }
0x15: {  	[smem:$0x3FB8] =	sst s0;
	s0 =	simm.s32 @!p2 $0x0  }
0x16: {  	s3 =	sld [smem:$0x3FDB];
	s0 =	simm.s32 @p2 $0x1  }
0x17: {  	s4 =	simm.s32 $0x1BF5;
	[smem:$0x3FBA] =	sst s0  }
0x18: {  	s0 =	sld [smem:$0x3F9D];
	_ =	swait.ge [sflag:s4], $0x0  }
0x19: {  	s7 =	sld [smem:$0x3F9E]  }
0x1a: {  	s8 =	sadd.s32 $0xFFFFE003, lr  }
0x1b: {  	s9 =	sadd.s32 $0xFFFFFEF7, lr;
	s5 =	simm.s32 $0xFFFFFFFF;
	p2 =	slt.u32 s8, $0xFFFFF086  }
0x1c: {  	p1 =	slt.u32 s9, $0xF7A;
	s5 =	simm.s32 @!p2 $0x0  }
0x1d: {  	s5 =	simm.s32 @p1 $0x1;
	p0 =	seq.s32 s7, s2  }
0x1e: {  	s7 =	smul.u32 @!p0 $0xF7A, s2;
	p2 =	seq.s32 @!p0 s5, $0x0  }
0x1f: {  	s9 =	smul.u32 $0xF7A, s1;
	s8 =	simm.s32 @!p0 $0x1BF5;
	p2 =	por !p2, p0  }
0x20: {  	[sflag:s8] =	ssyncset.s32 @!p0 $0xFFFFF086;
	s6 =	sadd.s32 @!p0 s3, s7;
	s7 =	simm.s32 @!p0 $0x108  }
0x21: {  	s3 =	sadd.s32 s3, s9;
	s6 =	sadd.s32 @!p0 $0x88, s6;
	s7 =	simm.s32 @p2 $0x1082  }
0x22: {  	[simem:s7], [sflag:s8] =	dma.local @!p0 [hbm:s6], $0xF7A  }
0x23: {  	s9 =	sor.u32 $0xD0000000, s2;
	s6 =	simm.s32 $0x108;
	_ =	swait.ge @!p0 [sflag:s8], $0x0  }
0x24: {  	s3 =	sadd.s32 $0x88, s3;
	s6 =	simm.s32 @!p1 $0x1082;
	[sflag:s4] =	ssyncset.s32 $0xFFFFF086  }
0x25: {  	[simem:s6], [sflag:s4] =	dma.local [hbm:s3], $0xF7A  }
0x26: {  	[smem:$0x3F9E] =	sst s1;
	(tag) =	ssettag s2;
	_ =	strace s9  }
0x27: {  	s1 =	sld [smem:$0x3FAE]  }
0x28: {  	s2 =	sld [smem:$0x3FAF]  }
0x29: {  	s4 =	sld [smem:$0x3FB1]  }
0x2a: {  	p0 =	seq.s32 s5, $0x0;
	s5 =	sld [smem:$0x3FB2]  }
0x2b: {  	s6 =	sld [smem:$0x3FB3]  }
0x2c: {  	s7 =	sld [smem:$0x3FB4]  }
0x2d: {  	s3 =	simm.s32 $0x108;
	s8 =	sld [smem:$0x3FB5]  }
0x2e: {  	s3 =	simm.s32 @!p0 $0x1082;
	s9 =	sld [smem:$0x3FB6]  }
0x2f: {  	lr =	sadd.s32 s0, s3;
	s0 =	sld [smem:$0x3FAD]  }
0x30: {  	s3 =	sld [smem:$0x3FB0]  }
0x31: {  	[smem:$0x3FB9] =	sst s10  }
0x32: {  	s10 =	sld [smem:$0x3FB7];
	_ =	sdelay $0x3  }
0x33: {  	p0 =	seq.s32 s10, $0x1;
	s10 =	sld [smem:$0x3FB9];
	_ =	sdelay $0x3  }
0x34: {  	[smem:$0x3FB9] =	sst s10  }
0x35: {  	s10 =	sld [smem:$0x3FB8];
	_ =	sdelay $0x3  }
0x36: {  	p1 =	seq.s32 s10, $0x1;
	s10 =	sld [smem:$0x3FB9];
	_ =	sdelay $0x3  }
0x37: {  	[smem:$0x3FB9] =	sst s10  }
0x38: {  	s10 =	sld [smem:$0x3FBA]  }
0x39: {  	_ = 	snop;
	(pc) =	sbr.ind lr, $3  }
0x3a: {  	_ = 	snop  }
0x3b: {  	_ = 	snop  }
0x3c: {  	p2 =	seq.s32 s10, $0x1;
	s10 =	sld [smem:$0x3FB9]  }
0x3d: {  	_ =	shalt  }
0x3e: {  	_ =	shalt  }
0x3f: {  	_ =	shalt  }
0x40: {  	_ =	shalt  }
0x41: {  	_ =	shalt  }
0x42: {  	_ =	shalt  }
0x43: {  	_ =	shalt  }
0x44: {  	_ =	shalt  }
0x45: {  	_ =	shalt  }
0x46: {  	_ =	shalt  }
0x47: {  	_ =	shalt  }
0x48: {  	_ =	shalt  }
0x49: {  	_ =	shalt  }
0x4a: {  	_ =	shalt  }
0x4b: {  	_ =	shalt  }
0x4c: {  	_ =	shalt  }
0x4d: {  	_ =	shalt  }
0x4e: {  	_ =	shalt  }
0x4f: {  	_ =	shalt  }
0x50: {  	_ =	shalt  }
0x51: {  	_ =	shalt  }
0x52: {  	_ =	shalt  }
0x53: {  	_ =	shalt  }
0x54: {  	_ =	shalt  }
0x55: {  	_ =	shalt  }
0x56: {  	_ =	shalt  }
0x57: {  	_ =	shalt  }
0x58: {  	_ =	shalt  }
0x59: {  	_ =	shalt  }
0x5a: {  	_ =	shalt  }
0x5b: {  	_ =	shalt  }
0x5c: {  	_ =	shalt  }
0x5d: {  	_ =	shalt  }
0x5e: {  	_ =	shalt  }
0x5f: {  	_ =	shalt  }
0x60: {  	_ =	shalt  }
0x61: {  	_ =	shalt  }
0x62: {  	_ =	shalt  }
0x63: {  	_ =	shalt  }
0x64: {  	_ =	shalt  }
0x65: {  	_ =	shalt  }
0x66: {  	_ =	shalt  }
0x67: {  	_ =	shalt  }
0x68: {  	_ =	shalt  }
0x69: {  	_ =	shalt  }
0x6a: {  	_ =	shalt  }
0x6b: {  	_ =	shalt  }
0x6c: {  	_ =	shalt  }
0x6d: {  	_ =	shalt  }
0x6e: {  	_ =	shalt  }
0x6f: {  	_ =	shalt  }
0x70: {  	_ =	shalt  }
0x71: {  	_ =	shalt  }
0x72: {  	_ =	shalt  }
0x73: {  	_ =	shalt  }
0x74: {  	_ =	shalt  }
0x75: {  	_ =	shalt  }
0x76: {  	_ =	shalt  }
0x77: {  	_ =	shalt  }
0x78: {  	_ =	shalt  }
0x79: {  	_ =	shalt  }
0x7a: {  	_ =	shalt  }
0x7b: {  	_ =	shalt  }
0x7c: {  	_ =	shalt  }
0x7d: {  	_ =	shalt  }
0x7e: {  	_ =	shalt  }
0x7f: {  	_ =	shalt  }
0x80: {  	_ =	shalt  }
0x81: {  	_ =	shalt  }
0x82: {  	_ =	shalt  }
0x83: {  	_ =	shalt  }
0x84: {  	_ =	shalt  }
0x85: {  	_ =	shalt  }
0x86: {  	_ =	shalt  }
0x87: {  	_ =	shalt  }
.Lfunc_end0:
.L_simem_size_0:
called_computation.1_lowered:
.L_overlay_start_0:
0x88: {  	s2 =	sld [smem:$0x3FD9]  }
0x89: {  	s3 =	sld [smem:$0x3FFE];
	_ =	sdelay $0x1  }
0x8a: {  	s1 =	srdreg.scid  }
0x8b: {  	s0 =	sand.u32 $0x1, s1  }
0x8c: {  	s17 =	sshll.u32 s0, $0xA;
	s2 =	sadd.s32 s3, s2  }
0x8d: {  	s2 =	sadd.s32 s2, s17  }
0x8e: {  	[smem:$0x3FC5] =	sst s2  }
0x8f: {  	_ = 	snop  }
0x90: {  	s2 =	sld [smem:$0x3FC7]  }
0x91: {  	s18 =	sld [smem:$0x3FD0];
	(tm) =	ssettm $0x1  }
0x92: {  	s4 =	sld [smem:$0x3FFB];
	_ =	sdelay $0x3  }
0x93: {  	_ =	strace s4  }
0x94: {  	s4 =	sld [smem:$0x3FFC];
	_ =	sdelay $0x3  }
0x95: {  	_ =	strace s4  }
0x96: {  	s4 =	sld [smem:$0x3FFD];
	_ =	sdelay $0x3  }
0x97: {  	_ =	strace s4  }
0x98: {  	_ =	strace $0x8FFFFFFF  }
0x99: {  	s19 =	sld [smem:$0x3FDB];
	_ =	sdelay $0x1  }
0x9a: {  	s5 =	simm.s32 $_scs_section_size  }
0x9b: {  	s6 =	simm.s32 $_size__tile_overlayer_lowered;
	s7 =	simm.s32 $_tile_overlayer_lowered  }
0x9c: {  	s22 =	simm.s32 $0x1BFF;
	s21 =	sshll.u32 s7, $0x1;
	s4 =	sadd.s32 s5, s19  }
0x9d: {  	s8 =	simm.s32 $0x0;
	s20 =	sshll.u32 s6, $0x1;
	s6 =	sadd.s32 s21, s4  }
0x9e: {  	[timem:s8], [sflag:s22] =	dma.local [hbm:s6], s20  }
0x9f: {  	_ =	swait.ge [sflag:s22], s20  }
0xa0: {  	s5 =	ssub.s32 $0x0, s20;
	[sflag:s22] =	ssyncset.done $0x0  }
0xa1: {  	[sflag:s22] =	ssyncadd.s32 s5;
	_ =	sdelay $0x1  }
0xa2: {  	s23 =	simm.s32 $0x1B8B  }
0xa3: {  	_ =	swait.ge [sflag:s23], $0x1  }
0xa4: {  	[sflag:s23] =	ssyncset.done $0x0  }
0xa5: {  	s25 =	simm.s32 $0x1B8E;
	s24 =	sld [smem:$0x3FFE];
	[sflag:s23] =	ssyncadd.s32 $0xFFFFFFFF  }
0xa6: {  	s26 =	simm.s32 $execute0_lowered;
	[smem:$0x3FD2] =	sst s25  }
0xa7: {  	s6 =	sshll.u32 s26, $0x1;
	_ =	strace $0x80000049;
	[dreg:$0x1] =	wrdreg $0xFFFFFFFF  }
0xa8: {  	s28 =	simm.s32 $_size_execute0_lowered;
	s4 =	sadd.s32 s4, s6;
	[dreg:$0x0] =	wrdreg $0x0  }
0xa9: {  	s6 =	sshll.u32 s28, $0x1;
	[dreg:$0x2] =	wrdreg s4  }
0xaa: {  	[dreg:$0x3] =	wrdreg s6  }
0xab: {  	[dreg:$0x4] =	wrdreg $0xC0  }
0xac: {  	_ =	task [dreg:s8], $0x5FFFF  }
0xad: {  	[dreg:$0x1] =	wrdreg $0xFFFFFFFF  }
0xae: {  	[dreg:$0x0] =	wrdreg $0x60  }
0xaf: {  	[dreg:$0x2] =	wrdreg s24  }
0xb0: {  	[dreg:$0x3] =	wrdreg s2  }
0xb1: {  	[dreg:$0x4] =	wrdreg s18  }
0xb2: {  	[dreg:$0x5] =	wrdreg $0x9  }
0xb3: {  	_ =	task.clear_ibuf [dreg:s8], $0x6FFFF;
	_ =	strace $0x90000049  }
0xb4: {  	s29 =	simm.s32 $0x9;
	_ =	strace $0x8000004B  }
0xb5: {  	_ =	swait.ge [sflag:s29], $0x1  }
0xb6: {  	[sflag:s29] =	ssyncadd.s32 $0xFFFFFFFF  }
0xb7: {  	_ =	strace $0x9000004B  }
0xb8: {  	_ =	sfence  }
0xb9: {  	s30 =	sld [smem:$0x0];
	_ =	sdelay $0x2  }
0xba: {  	s31 =	sshll.u32 s1, $0xD;
	s1 =	sshrl.u32 s1, $0x2  }
0xbb: {  	s3 =	sand.u32 $0x4000, s31;
	s1 =	sadd.s32 s1, s30  }
0xbc: {  	s0 =	sor.u32 s3, s0;
	s1 =	sshll.u32 s1, $0x11  }
0xbd: {  	s0 =	sor.u32 s1, s0  }
0xbe: {  	s0 =	sadd.s32 $0x8F2B, s0  }
0xbf: {  	[sflag:s0] =	ssyncadd.remote.s32 $0x1  }
0xc0: {  	_ =	sfence.sel $0xFFFF  }
0xc1: {  	[dreg:$0x0] =	wrdreg $0xFFFFFFFF;
	(pc) =	sbr.abs _section_cstart, $3  }
0xc2: {  	[dreg:$0x1] =	wrdreg $0xFFFFFFFF  }
0xc3: {  	_ =	task.clear_ibuf [dreg:s8], $0x2FFFF;
	_ =	strace $0x9FFFFFFF  }
0xc4: {  	(tm) =	ssettm $0x7FFFFFFF  }
0xc5: {  	_ =	shalt  }
tec
execute0_lowered:
.L_overlay_start_1:
0x0: {  	(tag) =	ssettag $0x1  }
0x1: {  	s4 =	rddreg [dreg:$0x0];
	s1 =	srdreg.scid  }
0x2: {  	s0 =	stileid.u32;
	s2 =	rddreg [dreg:$0x1]  }
0x3: {  	s6 =	rddreg [dreg:$0x2];
	s3 =	simm.s32 $0x0;
	s10 =	simm.s32 $0xD00  }
0x4: {  	s11 =	simm.s32 $0x3400;
	s12 =	simm.s32 $0x4100;
	s13 =	simm.s32 $0x1A00  }
0x5: {  	s14 =	simm.s32 $0x4E00;
	s15 =	simm.s32 $0x2700;
	s16 =	simm.s32 $0x5B00  }
0x6: {  	s17 =	simm.s32 $0x1;
	s18 =	simm.s32 $0x2;
	s19 =	simm.s32 $0x3  }
0x7: {  	s20 =	simm.s32 $0x4;
	s21 =	simm.s32 $0x6880;
	s22 =	simm.s32 $0x0  }
0x8: {  	s5 =	sand.u32 $0x1, s1;
	s31 =	sshll.u32 s0, $0x1;
	s1 =	rddreg [dreg:$0x3]  }
0x9: {  	[smem:$0x7FF] =	sst s3;
	s7 =	sor.u32 s5, s31;
	s5 =	ssub.s32 $0x2, s5  }
0xa: {  	s8 =	smul.u32 $0x680, s7;
	s9 =	sshrl.u32 s5, $0x1;
	s7 =	sshll.u32 s7, $0x6  }
0xb: {  	_ =	strace $0x8000004A;
	s9 =	ssub.s32 s5, s9;
	s6 =	sadd.s32 s6, s7  }
0xc: {  	s8 =	sadd.s32 s8, s4;
	s4 =	sadd.s32 $0x4D600, s4;
	s7 =	smax.u32 s9, $0x1  }
0xd: {  	s9 =	simm.s32 $0x6800;
	s5 =	sadd.s32 $0x40600, s8;
	s8 =	simm.s32 $0x5  }
.LBB2_1:
0xe: {  	[tilespmem:s3], [sflag:$0x5] =	stream.linear.gather [hbm4b:s5+s3], $0x3400, $0x38;
	[tilespmem:$0x6A80] =	vst v63  }
0xf: {  	_ =	swait.ge [sflag:s8], $0x3400  }
0x10: {  	[sflag:s8] =	ssyncset.done $0x0  }
0x11: {  	[sflag:s8] =	ssyncadd.s32 $0xFFFFCC00  }
0x12: {  	[tilespmem:s9], [sflag:$0x5] =	stream.linear.gather [hbm4b:s2+s3], $0x80, $0x38;
	[tilespmem:$0x6A80] =	vst v63  }
0x13: {  	_ =	swait.ge [sflag:s8], $0x80  }
0x14: {  	[sflag:s8] =	ssyncset.done $0x0  }
0x15: {  	[sflag:s8] =	ssyncadd.s32 $0xFFFFFF80  }
0x16: {  	v0 =	vld.msk [tilespmem:s9+$0x0], $0xffff;
	[tilespmem:s11], [sflag:$0x1] =	stream.indirect.gather [hbm4b:s4+s10], $0x1, s3, s10, $0xb8  }
0x17: {  	_ = 	snop  }
0x18: {  	[tilespmem:s12], [sflag:$0x2] =	stream.indirect.gather [hbm4b:s4+s10], $0x1, s10, s10, $0xb8;
	[tilespmem:$0x6A80] =	vst v63  }
0x19: {  	_ = 	snop  }
0x1a: {  	[tilespmem:s14], [sflag:$0x3] =	stream.indirect.gather [hbm4b:s4+s10], $0x1, s13, s10, $0xb8;
	[tilespmem:$0x6A80] =	vst v63  }
0x1b: {  	_ = 	snop  }
0x1c: {  	[tilespmem:s16], [sflag:$0x4] =	stream.indirect.gather [hbm4b:s4+s10], $0x1, s15, s10, $0xb8;
	[tilespmem:$0x6A80] =	vst v63  }
0x1d: {  	_ =	swait.ge [sflag:s17], $0xD00  }
0x1e: {  	[sflag:s17] =	ssyncset.done $0x0  }
0x1f: {  	s25 =	simm.s32 $0x0;
	[sflag:s17] =	ssyncadd.s32 $0xFFFFF300  }
0x20: {  	v1 =	vld [tilespmem:s25+$0x3400];
	_ =	sdelay $0x1  }
0x21: {  	v2 =	vld [tilespmem:s25+$0x3480];
	_ =	sdelay $0x1  }
0x22: {  	v3 =	vld [tilespmem:s25+$0x3500]  }
0x23: {  	v1 =	vadd.f32 v1, v0  }
0x24: {  	v4 =	vld [tilespmem:s25+$0x3580]  }
0x25: {  	v1 =	vadd.f32 v2, v1  }
0x26: {  	v2 =	vld [tilespmem:s25+$0x3600]  }
0x27: {  	v1 =	vadd.f32 v3, v1  }
0x28: {  	v3 =	vld [tilespmem:s25+$0x3680]  }
0x29: {  	v1 =	vadd.f32 v4, v1  }
0x2a: {  	v4 =	vld [tilespmem:s25+$0x3700]  }
0x2b: {  	v1 =	vadd.f32 v2, v1  }
0x2c: {  	v2 =	vld [tilespmem:s25+$0x3780]  }
0x2d: {  	v1 =	vadd.f32 v3, v1  }
0x2e: {  	v3 =	vld [tilespmem:s25+$0x3800]  }
0x2f: {  	v1 =	vadd.f32 v4, v1  }
0x30: {  	v4 =	vld [tilespmem:s25+$0x3880]  }
0x31: {  	v1 =	vadd.f32 v2, v1  }
0x32: {  	v2 =	vld [tilespmem:s25+$0x3900]  }
0x33: {  	v1 =	vadd.f32 v3, v1  }
0x34: {  	v5 =	vld [tilespmem:s25+$0x3980]  }
0x35: {  	v1 =	vadd.f32 v4, v1  }
0x36: {  	s23 =	simm.s32 $0x10;
	v3 =	vld [tilespmem:s25+$0x3A00]  }
0x37: {  	v6 =	vld [tilespmem:s23+$0x3400];
	v1 =	vadd.f32 v2, v1  }
0x38: {  	v4 =	vld [tilespmem:s25+$0x3A80]  }
0x39: {  	v7 =	vld [tilespmem:s23+$0x3480];
	v1 =	vadd.f32 v5, v1  }
0x3a: {  	v2 =	vld [tilespmem:s25+$0x3B00]  }
0x3b: {  	v8 =	vld [tilespmem:s23+$0x3500];
	v1 =	vadd.f32 v3, v1  }
0x3c: {  	v5 =	vld [tilespmem:s25+$0x3B80]  }
0x3d: {  	v9 =	vld [tilespmem:s23+$0x3580];
	v6 =	vadd.f32 v6, v0;
	v1 =	vadd.f32 v4, v1  }
0x3e: {  	v3 =	vld [tilespmem:s25+$0x3C00]  }
0x3f: {  	v6 =	vadd.f32 v7, v6;
	v7 =	vld [tilespmem:s23+$0x3600];
	v1 =	vadd.f32 v2, v1  }
0x40: {  	v4 =	vld [tilespmem:s25+$0x3C80]  }
0x41: {  	v6 =	vadd.f32 v8, v6;
	v8 =	vld [tilespmem:s23+$0x3680];
	v1 =	vadd.f32 v5, v1  }
0x42: {  	v2 =	vld [tilespmem:s25+$0x3D00]  }
0x43: {  	v58 =	vld [tilespmem:s23+$0x3700];
	v6 =	vadd.f32 v9, v6;
	v1 =	vadd.f32 v3, v1  }
0x44: {  	v5 =	vld [tilespmem:s25+$0x3D80]  }
0x45: {  	v6 =	vadd.f32 v7, v6;
	v7 =	vld [tilespmem:s23+$0x3780];
	v1 =	vadd.f32 v4, v1  }
0x46: {  	v3 =	vld [tilespmem:s25+$0x3E00]  }
0x47: {  	v6 =	vadd.f32 v8, v6;
	v8 =	vld [tilespmem:s25+$0x3E80];
	v1 =	vadd.f32 v2, v1  }
0x48: {  	v4 =	vld [tilespmem:s23+$0x3800]  }
0x49: {  	v59 =	vld [tilespmem:s25+$0x3F00];
	v6 =	vadd.f32 v58, v6;
	v1 =	vadd.f32 v5, v1  }
0x4a: {  	v2 =	vld [tilespmem:s23+$0x3880]  }
0x4b: {  	v6 =	vadd.f32 v7, v6;
	v7 =	vld [tilespmem:s25+$0x3F80];
	v1 =	vadd.f32 v3, v1  }
0x4c: {  	v5 =	vld [tilespmem:s23+$0x3900]  }
0x4d: {  	v4 =	vadd.f32 v4, v6;
	v6 =	vld [tilespmem:s25+$0x4000];
	v1 =	vadd.f32 v8, v1  }
0x4e: {  	v3 =	vld [tilespmem:s23+$0x3980]  }
0x4f: {  	v2 =	vadd.f32 v2, v4;
	v4 =	vld [tilespmem:s25+$0x4080];
	v1 =	vadd.f32 v59, v1  }
0x50: {  	s24 =	simm.s32 $0x20;
	v8 =	vld [tilespmem:s23+$0x3A00]  }
0x51: {  	v2 =	vadd.f32 v5, v2;
	v5 =	vld [tilespmem:s24+$0x3400];
	v1 =	vadd.f32 v7, v1  }
0x52: {  	v60 =	vld [tilespmem:s23+$0x3A80]  }
0x53: {  	v2 =	vadd.f32 v3, v2;
	v3 =	vld [tilespmem:s24+$0x3480];
	v1 =	vadd.f32 v6, v1  }
0x54: {  	v7 =	vld [tilespmem:s23+$0x3B00]  }
0x55: {  	v2 =	vadd.f32 v8, v2;
	v8 =	vld [tilespmem:s24+$0x3500];
	v1 =	vadd.f32 v4, v1  }
0x56: {  	v6 =	vld [tilespmem:s23+$0x3B80];
	v5 =	vadd.f32 v5, v0  }
0x57: {  	v61 =	vld [tilespmem:s24+$0x3580];
	v2 =	vadd.f32 v60, v2;
	v1 =	vsub.f32 $0.0e+00, v1  }
0x58: {  	v4 =	vld [tilespmem:s23+$0x3C00];
	v3 =	vadd.f32 v3, v5  }
0x59: {  	v5 =	vld [tilespmem:s24+$0x3600];
	v2 =	vadd.f32 v7, v2;
	v1 =	vmul.f32 $1.442695020e+00, v1  }
0x5a: {  	v7 =	vld [tilespmem:s23+$0x3C80];
	v3 =	vadd.f32 v8, v3  }
0x5b: {  	v8 =	vld [tilespmem:s24+$0x3680];
	v2 =	vadd.f32 v6, v2;
	(erf) = vpow2.f32 v1  }
0x5c: {  	v6 =	vld [tilespmem:s23+$0x3D00];
	v3 =	vadd.f32 v61, v3  }
0x5d: {  	v62 =	vld [tilespmem:s24+$0x3700];
	v2 =	vadd.f32 v4, v2  }
0x5e: {  	v1 =	vld [tilespmem:s23+$0x3D80];
	v3 =	vadd.f32 v5, v3  }
0x5f: {  	v4 =	vld [tilespmem:s24+$0x3780];
	v2 =	vadd.f32 v7, v2  }
0x60: {  	v5 =	vld [tilespmem:s23+$0x3E00];
	v3 =	vadd.f32 v8, v3  }
0x61: {  	v7 =	vld [tilespmem:s24+$0x3800];
	v2 =	vadd.f32 v6, v2  }
0x62: {  	v6 =	vld [tilespmem:s23+$0x3E80];
	v3 =	vadd.f32 v62, v3  }
0x63: {  	v8 =	vld [tilespmem:s24+$0x3880];
	v1 =	vadd.f32 v1, v2  }
0x64: {  	v2 =	vld [tilespmem:s23+$0x3F00];
	v3 =	vadd.f32 v4, v3;
	v4 =	vpop (erf)  }
0x65: {  	v63 =	vld [tilespmem:s23+$0x3F80];
	v1 =	vadd.f32 v5, v1;
	v10 =	vadd.f32 $1.000000000e+00, v4  }
0x66: {  	v5 =	vld [tilespmem:s24+$0x3900]  }
0x67: {  	v7 =	vadd.f32 v7, v3;
	v3 =	vld [tilespmem:s23+$0x4000];
	v6 =	vadd.f32 v6, v1;
	(erf) = vrcp.f32 v10  }
0x68: {  	v1 =	vld [tilespmem:s24+$0x3980]  }
0x69: {  	v7 =	vadd.f32 v8, v7;
	v4 =	vld [tilespmem:s23+$0x4080];
	v8 =	vadd.f32 v2, v6  }
0x6a: {  	s26 =	simm.s32 $0x30;
	v2 =	vld [tilespmem:s24+$0x3A00]  }
0x6b: {  	s28 =	simm.s32 $0x100;
	v6 =	vld [tilespmem:s26+$0x3400];
	v5 =	vadd.f32 v5, v7;
	v7 =	vadd.f32 v63, v8  }
.LBB2_2:
0x6c: {  	p0 =	sne.s32 s28, $0x1C0;
	v8 =	vld [tilespmem:s24+$0x3A80]  }
0x6d: {  	v9 =	vld [tilespmem:s26+$0x3480];
	v1 =	vadd.f32 v1, v5;
	v3 =	vadd.f32 v3, v7  }
0x6e: {  	v5 =	vld [tilespmem:s24+$0x3B00]  }
0x6f: {  	v7 =	vld [tilespmem:s26+$0x3500];
	v1 =	vadd.f32 v2, v1;
	v2 =	vadd.f32 v4, v3  }
0x70: {  	v3 =	vadd.f32 v6, v0;
	v4 =	vld [tilespmem:s24+$0x3B80];
	v6 =	vpop (erf)  }
0x71: {  	v10 =	vld [tilespmem:s26+$0x3580];
	v1 =	vadd.f32 v8, v1;
	v2 =	vsub.f32 $0.0e+00, v2;
	[tilespmem:s25+$0x6880] =	vst v6;
	s25 =	smov.u32 s23;
	s23 =	smov.u32 s24;
	s24 =	smov.u32 s26  }
0x72: {  	v3 =	vadd.f32 v9, v3;
	v6 =	vld [tilespmem:s23+$0x3C00]  }
0x73: {  	v8 =	vld [tilespmem:s24+$0x3600];
	v1 =	vadd.f32 v5, v1;
	v2 =	vmul.f32 $1.442695020e+00, v2  }
0x74: {  	v3 =	vadd.f32 v7, v3;
	v5 =	vld [tilespmem:s23+$0x3C80]  }
0x75: {  	v7 =	vld [tilespmem:s24+$0x3680];
	v1 =	vadd.f32 v4, v1;
	(erf) = vpow2.f32 v2  }
0x76: {  	v2 =	vadd.f32 v10, v3;
	v3 =	vld [tilespmem:s23+$0x3D00]  }
0x77: {  	v4 =	vld [tilespmem:s24+$0x3700];
	v1 =	vadd.f32 v6, v1  }
0x78: {  	v2 =	vadd.f32 v8, v2;
	v6 =	vld [tilespmem:s23+$0x3D80]  }
0x79: {  	v8 =	vld [tilespmem:s24+$0x3780];
	v1 =	vadd.f32 v5, v1  }
0x7a: {  	v2 =	vadd.f32 v7, v2;
	v5 =	vld [tilespmem:s23+$0x3E00]  }
0x7b: {  	v1 =	vadd.f32 v3, v1;
	v3 =	vld [tilespmem:s23+$0x3E80]  }
0x7c: {  	v2 =	vadd.f32 v4, v2;
	v4 =	vld [tilespmem:s24+$0x3800]  }
0x7d: {  	v1 =	vadd.f32 v6, v1;
	v6 =	vld [tilespmem:s23+$0x3F00]  }
0x7e: {  	v2 =	vadd.f32 v8, v2;
	v7 =	vld [tilespmem:s24+$0x3880];
	v8 =	vpop (erf)  }
0x7f: {  	v1 =	vadd.f32 v5, v1;
	v9 =	vld [tilespmem:s23+$0x3F80];
	v5 =	vadd.f32 $1.000000000e+00, v8  }
0x80: {  	v8 =	vld [tilespmem:s24+$0x3900]  }
.Ltmp0:
0x81: {  	v2 =	vadd.f32 v4, v2;
	v4 =	vadd.f32 v3, v1;
	v3 =	vld [tilespmem:s23+$0x4000];
	(erf) = vrcp.f32 v5;
	(pc) =	sbr.rel @p0 .LBB2_2-.Ltmp0, $4  }
0x82: {  	v1 =	vld [tilespmem:s24+$0x3980]  }
0x83: {  	v5 =	vadd.f32 v7, v2;
	v7 =	vadd.f32 v6, v4;
	v4 =	vld [tilespmem:s23+$0x4080]  }
0x84: {  	s26 =	sshra.s32 s28, $0x2;
	v2 =	vld [tilespmem:s24+$0x3A00]  }
0x85: {  	s28 =	sadd.s32 $0x40, s28;
	v6 =	vld [tilespmem:s26+$0x3400];
	v5 =	vadd.f32 v8, v5;
	v7 =	vadd.f32 v9, v7  }
0x86: {  	_ = 	snop  }
0x87: {  	v3 =	vadd.f32 v3, v7  }
0x88: {  	v7 =	vld [tilespmem:s26+$0x3480]  }
0x89: {  	v8 =	vld [tilespmem:s24+$0x3A80];
	v3 =	vadd.f32 v4, v3  }
0x8a: {  	v4 =	vld [tilespmem:s26+$0x3500]  }
0x8b: {  	v9 =	vld [tilespmem:s24+$0x3B00];
	v6 =	vadd.f32 v6, v0;
	v3 =	vsub.f32 $0.0e+00, v3  }
0x8c: {  	v12 =	vld [tilespmem:s26+$0x3580];
	v11 =	vpop (erf)  }
0x8d: {  	v10 =	vld [tilespmem:s24+$0x3B80];
	[tilespmem:s25+$0x6880] =	vst v11;
	v6 =	vadd.f32 v7, v6;
	v3 =	vmul.f32 $1.442695020e+00, v3  }
0x8e: {  	v7 =	vld [tilespmem:s26+$0x3600]  }
0x8f: {  	v4 =	vadd.f32 v4, v6;
	(erf) = vpow2.f32 v3  }
0x90: {  	v3 =	vld [tilespmem:s26+$0x3680]  }
0x91: {  	v4 =	vadd.f32 v12, v4  }
0x92: {  	v1 =	vadd.f32 v1, v5;
	v11 =	vld [tilespmem:s26+$0x3700]  }
0x93: {  	v46 =	vld [tilespmem:s24+$0x3C80];
	v4 =	vadd.f32 v7, v4  }
0x94: {  	v1 =	vadd.f32 v2, v1;
	v5 =	vld [tilespmem:s26+$0x3780]  }
0x95: {  	v2 =	vld [tilespmem:s26+$0x3800];
	v3 =	vadd.f32 v3, v4  }
0x96: {  	v1 =	vadd.f32 v8, v1;
	v8 =	vld [tilespmem:s26+$0x3880]  }
0x97: {  	v48 =	vld [tilespmem:s26+$0x3900];
	v3 =	vadd.f32 v11, v3  }
0x98: {  	v49 =	vld [tilespmem:s26+$0x3980];
	v47 =	vpop (erf)  }
0x99: {  	v6 =	vld [tilespmem:s24+$0x3C00];
	v3 =	vadd.f32 v5, v3;
	v11 =	vadd.f32 $1.000000000e+00, v47  }
0x9a: {  	v50 =	vld [tilespmem:s24+$0x3F00];
	v1 =	vadd.f32 v9, v1  }
0x9b: {  	v51 =	vld [tilespmem:s26+$0x3A80];
	v2 =	vadd.f32 v2, v3;
	(erf) = vrcp.f32 v11  }
0x9c: {  	v52 =	vld [tilespmem:s24+$0x4000];
	v1 =	vadd.f32 v10, v1  }
0x9d: {  	v7 =	vld [tilespmem:s24+$0x3D00];
	v2 =	vadd.f32 v8, v2  }
0x9e: {  	v1 =	vadd.f32 v6, v1;
	v6 =	vld [tilespmem:s26+$0x3A00]  }
0x9f: {  	v4 =	vld [tilespmem:s24+$0x3D80];
	v2 =	vadd.f32 v48, v2  }
0xa0: {  	v53 =	vld [tilespmem:s24+$0x4080];
	v1 =	vadd.f32 v46, v1  }
0xa1: {  	v5 =	vld [tilespmem:s24+$0x3E00];
	v2 =	vadd.f32 v49, v2  }
0xa2: {  	v1 =	vadd.f32 v7, v1;
	v7 =	vld [tilespmem:s26+$0x3B00]  }
0xa3: {  	v3 =	vld [tilespmem:s24+$0x3E80];
	v2 =	vadd.f32 v6, v2  }
0xa4: {  	v1 =	vadd.f32 v4, v1;
	v4 =	vld [tilespmem:s26+$0x3B80];
	v6 =	vpop (erf)  }
0xa5: {  	v8 =	vld [tilespmem:s24+$0x3F80];
	v2 =	vadd.f32 v51, v2;
	[tilespmem:s23+$0x6880] =	vst v6  }
0xa6: {  	v1 =	vadd.f32 v5, v1;
	v5 =	vld [tilespmem:s26+$0x3C00]  }
0xa7: {  	v2 =	vadd.f32 v7, v2  }
0xa8: {  	v1 =	vadd.f32 v3, v1;
	v3 =	vld [tilespmem:s26+$0x3C80]  }
0xa9: {  	v2 =	vadd.f32 v4, v2  }
0xaa: {  	v1 =	vadd.f32 v50, v1;
	v4 =	vld [tilespmem:s26+$0x3D00]  }
0xab: {  	v2 =	vadd.f32 v5, v2  }
0xac: {  	v1 =	vadd.f32 v8, v1;
	v5 =	vld [tilespmem:s26+$0x3D80]  }
0xad: {  	v2 =	vadd.f32 v3, v2  }
0xae: {  	v1 =	vadd.f32 v52, v1;
	v3 =	vld [tilespmem:s26+$0x3E00]  }
0xaf: {  	v2 =	vadd.f32 v4, v2  }
0xb0: {  	v1 =	vadd.f32 v53, v1;
	v4 =	vld [tilespmem:s26+$0x3E80]  }
0xb1: {  	v2 =	vadd.f32 v5, v2  }
0xb2: {  	v1 =	vsub.f32 $0.0e+00, v1;
	v5 =	vld [tilespmem:s26+$0x3F00]  }
0xb3: {  	v2 =	vadd.f32 v3, v2  }
0xb4: {  	v1 =	vmul.f32 $1.442695020e+00, v1;
	v3 =	vld [tilespmem:s26+$0x3F80]  }
0xb5: {  	v2 =	vadd.f32 v4, v2  }
0xb6: {  	(erf) = vpow2.f32 v1;
	v1 =	vld [tilespmem:s26+$0x4000]  }
0xb7: {  	v2 =	vadd.f32 v5, v2  }
0xb8: {  	v4 =	vld [tilespmem:s26+$0x4080]  }
0xb9: {  	v2 =	vadd.f32 v3, v2;
	_ =	sdelay $0x1  }
0xba: {  	v1 =	vadd.f32 v1, v2;
	_ =	sdelay $0x1  }
0xbb: {  	v1 =	vadd.f32 v4, v1;
	_ =	sdelay $0x1  }
0xbc: {  	v2 =	vpop (erf);
	v1 =	vsub.f32 $0.0e+00, v1  }
0xbd: {  	v2 =	vadd.f32 $1.000000000e+00, v2  }
0xbe: {  	v1 =	vmul.f32 $1.442695020e+00, v1  }
0xbf: {  	(erf) = vrcp.f32 v2  }
0xc0: {  	(erf) = vpow2.f32 v1;
	_ =	sdelay $0x7  }
0xc1: {  	v1 =	vpop (erf)  }
0xc2: {  	v2 =	vpop (erf)  }
0xc3: {  	v2 =	vadd.f32 $1.000000000e+00, v2;
	_ =	sdelay $0x1  }
0xc4: {  	(erf) = vrcp.f32 v2;
	_ =	sdelay $0x8  }
0xc5: {  	[tilespmem:s24+$0x6880] =	vst v1;
	v1 =	vpop (erf)  }
0xc6: {  	[tilespmem:s26+$0x6880] =	vst v1  }
0xc7: {  	_ =	swait.ge [sflag:s18], $0xD00  }
0xc8: {  	[sflag:s18] =	ssyncset.done $0x0  }
0xc9: {  	s25 =	simm.s32 $0x0;
	[sflag:s18] =	ssyncadd.s32 $0xFFFFF300  }
0xca: {  	v1 =	vld [tilespmem:s25+$0x4100];
	_ =	sdelay $0x1  }
0xcb: {  	v2 =	vld [tilespmem:s25+$0x4180];
	_ =	sdelay $0x1  }
0xcc: {  	v3 =	vld [tilespmem:s25+$0x4200]  }
0xcd: {  	v1 =	vadd.f32 v1, v0  }
0xce: {  	v4 =	vld [tilespmem:s25+$0x4280]  }
0xcf: {  	v1 =	vadd.f32 v2, v1  }
0xd0: {  	v2 =	vld [tilespmem:s25+$0x4300]  }
0xd1: {  	v1 =	vadd.f32 v3, v1  }
0xd2: {  	v3 =	vld [tilespmem:s25+$0x4380]  }
0xd3: {  	v1 =	vadd.f32 v4, v1  }
0xd4: {  	v4 =	vld [tilespmem:s25+$0x4400]  }
0xd5: {  	v1 =	vadd.f32 v2, v1  }
0xd6: {  	v2 =	vld [tilespmem:s25+$0x4480]  }
0xd7: {  	v1 =	vadd.f32 v3, v1  }
0xd8: {  	v3 =	vld [tilespmem:s25+$0x4500]  }
0xd9: {  	v1 =	vadd.f32 v4, v1  }
0xda: {  	v4 =	vld [tilespmem:s25+$0x4580]  }
0xdb: {  	v1 =	vadd.f32 v2, v1  }
0xdc: {  	v2 =	vld [tilespmem:s25+$0x4600]  }
0xdd: {  	v1 =	vadd.f32 v3, v1  }
0xde: {  	s23 =	simm.s32 $0x10;
	v5 =	vld [tilespmem:s25+$0x4680]  }
0xdf: {  	v6 =	vld [tilespmem:s23+$0x4100];
	v1 =	vadd.f32 v4, v1  }
0xe0: {  	v3 =	vld [tilespmem:s25+$0x4700]  }
0xe1: {  	v7 =	vld [tilespmem:s23+$0x4180];
	v1 =	vadd.f32 v2, v1  }
0xe2: {  	v4 =	vld [tilespmem:s25+$0x4780]  }
0xe3: {  	v8 =	vld [tilespmem:s23+$0x4200];
	v1 =	vadd.f32 v5, v1  }
0xe4: {  	v2 =	vld [tilespmem:s25+$0x4800]  }
0xe5: {  	v54 =	vld [tilespmem:s23+$0x4280];
	v1 =	vadd.f32 v3, v1  }
0xe6: {  	v6 =	vadd.f32 v6, v0;
	v5 =	vld [tilespmem:s25+$0x4880]  }
0xe7: {  	v55 =	vld [tilespmem:s23+$0x4400];
	v1 =	vadd.f32 v4, v1  }
0xe8: {  	v6 =	vadd.f32 v7, v6;
	v3 =	vld [tilespmem:s25+$0x4900]  }
0xe9: {  	v7 =	vld [tilespmem:s23+$0x4300];
	v1 =	vadd.f32 v2, v1  }
0xea: {  	v6 =	vadd.f32 v8, v6;
	v4 =	vld [tilespmem:s25+$0x4980]  }
0xeb: {  	v8 =	vld [tilespmem:s23+$0x4380];
	v1 =	vadd.f32 v5, v1  }
0xec: {  	v6 =	vadd.f32 v54, v6;
	v2 =	vld [tilespmem:s25+$0x4A00]  }
0xed: {  	v56 =	vld [tilespmem:s25+$0x4C00];
	v1 =	vadd.f32 v3, v1  }
0xee: {  	v6 =	vadd.f32 v7, v6;
	v5 =	vld [tilespmem:s25+$0x4A80]  }
0xef: {  	v7 =	vld [tilespmem:s23+$0x4480];
	v1 =	vadd.f32 v4, v1  }
0xf0: {  	v6 =	vadd.f32 v8, v6;
	v3 =	vld [tilespmem:s25+$0x4B00]  }
0xf1: {  	v4 =	vld [tilespmem:s23+$0x4500];
	v1 =	vadd.f32 v2, v1  }
0xf2: {  	v8 =	vld [tilespmem:s25+$0x4B80];
	v6 =	vadd.f32 v55, v6  }
0xf3: {  	s24 =	simm.s32 $0x20;
	v2 =	vld [tilespmem:s23+$0x4580];
	v1 =	vadd.f32 v5, v1  }
0xf4: {  	v57 =	vld [tilespmem:s24+$0x4100];
	v6 =	vadd.f32 v7, v6  }
0xf5: {  	v5 =	vld [tilespmem:s23+$0x4600];
	v1 =	vadd.f32 v3, v1  }
0xf6: {  	v7 =	vld [tilespmem:s25+$0x4C80];
	v4 =	vadd.f32 v4, v6  }
0xf7: {  	v3 =	vld [tilespmem:s23+$0x4680];
	v1 =	vadd.f32 v8, v1  }
0xf8: {  	v6 =	vld [tilespmem:s25+$0x4D00];
	v2 =	vadd.f32 v2, v4  }
0xf9: {  	v8 =	vld [tilespmem:s23+$0x4700];
	v1 =	vadd.f32 v56, v1  }
0xfa: {  	v4 =	vld [tilespmem:s25+$0x4D80];
	v2 =	vadd.f32 v5, v2  }
0xfb: {  	v5 =	vld [tilespmem:s23+$0x4780];
	v1 =	vadd.f32 v7, v1  }
0xfc: {  	v58 =	vld [tilespmem:s24+$0x4180];
	v2 =	vadd.f32 v3, v2  }
0xfd: {  	v3 =	vld [tilespmem:s23+$0x4800];
	v1 =	vadd.f32 v6, v1  }
0xfe: {  	v7 =	vld [tilespmem:s24+$0x4200];
	v2 =	vadd.f32 v8, v2  }
0xff: {  	v8 =	vadd.f32 v57, v0;
	v6 =	vld [tilespmem:s23+$0x4880];
	v1 =	vadd.f32 v4, v1  }
0x100: {  	v59 =	vld [tilespmem:s24+$0x4280];
	v2 =	vadd.f32 v5, v2  }
0x101: {  	v5 =	vadd.f32 v58, v8;
	v4 =	vld [tilespmem:s23+$0x4900];
	v1 =	vsub.f32 $0.0e+00, v1  }
0x102: {  	v8 =	vld [tilespmem:s24+$0x4300];
	v2 =	vadd.f32 v3, v2  }
0x103: {  	v3 =	vld [tilespmem:s23+$0x4980];
	v5 =	vadd.f32 v7, v5;
	v1 =	vmul.f32 $1.442695020e+00, v1  }
0x104: {  	v7 =	vld [tilespmem:s24+$0x4380];
	v2 =	vadd.f32 v6, v2  }
0x105: {  	v6 =	vld [tilespmem:s23+$0x4A00];
	v5 =	vadd.f32 v59, v5;
	(erf) = vpow2.f32 v1  }
0x106: {  	v60 =	vld [tilespmem:s24+$0x4400];
	v2 =	vadd.f32 v4, v2  }
0x107: {  	v4 =	vadd.f32 v8, v5;
	v1 =	vld [tilespmem:s23+$0x4A80]  }
0x108: {  	v5 =	vld [tilespmem:s24+$0x4480];
	v2 =	vadd.f32 v3, v2  }
0x109: {  	v3 =	vld [tilespmem:s23+$0x4B00];
	v4 =	vadd.f32 v7, v4  }
0x10a: {  	v7 =	vld [tilespmem:s24+$0x4500];
	v2 =	vadd.f32 v6, v2  }
0x10b: {  	v4 =	vadd.f32 v60, v4  }
0x10c: {  	v6 =	vld [tilespmem:s23+$0x4B80];
	v1 =	vadd.f32 v1, v2  }
0x10d: {  	v8 =	vld [tilespmem:s24+$0x4580];
	v4 =	vadd.f32 v5, v4  }
0x10e: {  	v2 =	vld [tilespmem:s23+$0x4C00];
	v1 =	vadd.f32 v3, v1;
	v62 =	vpop (erf)  }
0x10f: {  	v61 =	vld [tilespmem:s23+$0x4C80];
	v4 =	vadd.f32 v7, v4;
	v7 =	vadd.f32 $1.000000000e+00, v62  }
0x110: {  	v5 =	vld [tilespmem:s24+$0x4600]  }
0x111: {  	v3 =	vld [tilespmem:s23+$0x4D00];
	v6 =	vadd.f32 v6, v1;
	(erf) = vrcp.f32 v7  }
0x112: {  	v1 =	vld [tilespmem:s24+$0x4680]  }
0x113: {  	v8 =	vadd.f32 v8, v4;
	v4 =	vld [tilespmem:s23+$0x4D80];
	v63 =	vadd.f32 v2, v6  }
0x114: {  	s26 =	simm.s32 $0x30;
	v2 =	vld [tilespmem:s24+$0x4700]  }
0x115: {  	s28 =	simm.s32 $0x100;
	v6 =	vld [tilespmem:s26+$0x4100];
	v5 =	vadd.f32 v5, v8;
	v7 =	vadd.f32 v61, v63  }
.LBB2_4:
0x116: {  	p0 =	sne.s32 s28, $0x1C0;
	v8 =	vld [tilespmem:s24+$0x4780]  }
0x117: {  	v9 =	vld [tilespmem:s26+$0x4180];
	v1 =	vadd.f32 v1, v5;
	v3 =	vadd.f32 v3, v7  }
0x118: {  	v5 =	vld [tilespmem:s24+$0x4800]  }
0x119: {  	v7 =	vld [tilespmem:s26+$0x4200];
	v1 =	vadd.f32 v2, v1;
	v2 =	vadd.f32 v4, v3  }
0x11a: {  	v3 =	vadd.f32 v6, v0;
	v4 =	vld [tilespmem:s24+$0x4880];
	v6 =	vpop (erf)  }
0x11b: {  	v10 =	vld [tilespmem:s26+$0x4280];
	v1 =	vadd.f32 v8, v1;
	v2 =	vsub.f32 $0.0e+00, v2;
	[tilespmem:s25+$0x6900] =	vst v6;
	s25 =	smov.u32 s23;
	s23 =	smov.u32 s24;
	s24 =	smov.u32 s26  }
0x11c: {  	v3 =	vadd.f32 v9, v3;
	v6 =	vld [tilespmem:s23+$0x4900]  }
0x11d: {  	v8 =	vld [tilespmem:s24+$0x4300];
	v1 =	vadd.f32 v5, v1;
	v2 =	vmul.f32 $1.442695020e+00, v2  }
0x11e: {  	v3 =	vadd.f32 v7, v3;
	v5 =	vld [tilespmem:s23+$0x4980]  }
0x11f: {  	v7 =	vld [tilespmem:s24+$0x4380];
	v1 =	vadd.f32 v4, v1;
	(erf) = vpow2.f32 v2  }
0x120: {  	v2 =	vadd.f32 v10, v3;
	v3 =	vld [tilespmem:s23+$0x4A00]  }
0x121: {  	v4 =	vld [tilespmem:s24+$0x4400];
	v1 =	vadd.f32 v6, v1  }
0x122: {  	v2 =	vadd.f32 v8, v2;
	v6 =	vld [tilespmem:s23+$0x4A80]  }
0x123: {  	v8 =	vld [tilespmem:s24+$0x4480];
	v1 =	vadd.f32 v5, v1  }
0x124: {  	v2 =	vadd.f32 v7, v2;
	v5 =	vld [tilespmem:s23+$0x4B00]  }
0x125: {  	v1 =	vadd.f32 v3, v1;
	v3 =	vld [tilespmem:s23+$0x4B80]  }
0x126: {  	v2 =	vadd.f32 v4, v2;
	v4 =	vld [tilespmem:s24+$0x4500]  }
0x127: {  	v1 =	vadd.f32 v6, v1;
	v6 =	vld [tilespmem:s23+$0x4C00]  }
0x128: {  	v2 =	vadd.f32 v8, v2;
	v7 =	vld [tilespmem:s24+$0x4580];
	v8 =	vpop (erf)  }
0x129: {  	v1 =	vadd.f32 v5, v1;
	v9 =	vld [tilespmem:s23+$0x4C80];
	v5 =	vadd.f32 $1.000000000e+00, v8  }
0x12a: {  	v8 =	vld [tilespmem:s24+$0x4600]  }
.Ltmp1:
0x12b: {  	v2 =	vadd.f32 v4, v2;
	v4 =	vadd.f32 v3, v1;
	v3 =	vld [tilespmem:s23+$0x4D00];
	(erf) = vrcp.f32 v5;
	(pc) =	sbr.rel @p0 .LBB2_4-.Ltmp1, $4  }
0x12c: {  	v1 =	vld [tilespmem:s24+$0x4680]  }
0x12d: {  	v5 =	vadd.f32 v7, v2;
	v7 =	vadd.f32 v6, v4;
	v4 =	vld [tilespmem:s23+$0x4D80]  }
0x12e: {  	s26 =	sshra.s32 s28, $0x2;
	v2 =	vld [tilespmem:s24+$0x4700]  }
0x12f: {  	s28 =	sadd.s32 $0x40, s28;
	v6 =	vld [tilespmem:s26+$0x4100];
	v5 =	vadd.f32 v8, v5;
	v7 =	vadd.f32 v9, v7  }
0x130: {  	_ = 	snop  }
0x131: {  	v3 =	vadd.f32 v3, v7  }
0x132: {  	v7 =	vld [tilespmem:s26+$0x4180]  }
0x133: {  	v8 =	vld [tilespmem:s24+$0x4780];
	v3 =	vadd.f32 v4, v3  }
0x134: {  	v4 =	vld [tilespmem:s26+$0x4200]  }
0x135: {  	v9 =	vld [tilespmem:s24+$0x4800];
	v6 =	vadd.f32 v6, v0;
	v3 =	vsub.f32 $0.0e+00, v3  }
0x136: {  	v12 =	vld [tilespmem:s26+$0x4280];
	v11 =	vpop (erf)  }
0x137: {  	v10 =	vld [tilespmem:s24+$0x4880];
	[tilespmem:s25+$0x6900] =	vst v11;
	v6 =	vadd.f32 v7, v6;
	v3 =	vmul.f32 $1.442695020e+00, v3  }
0x138: {  	v7 =	vld [tilespmem:s26+$0x4300]  }
0x139: {  	v4 =	vadd.f32 v4, v6;
	(erf) = vpow2.f32 v3  }
0x13a: {  	v3 =	vld [tilespmem:s26+$0x4380]  }
0x13b: {  	v4 =	vadd.f32 v12, v4  }
0x13c: {  	v1 =	vadd.f32 v1, v5;
	v11 =	vld [tilespmem:s26+$0x4400]  }
0x13d: {  	v46 =	vld [tilespmem:s24+$0x4980];
	v4 =	vadd.f32 v7, v4  }
0x13e: {  	v1 =	vadd.f32 v2, v1;
	v5 =	vld [tilespmem:s26+$0x4480]  }
0x13f: {  	v2 =	vld [tilespmem:s26+$0x4500];
	v3 =	vadd.f32 v3, v4  }
0x140: {  	v1 =	vadd.f32 v8, v1;
	v8 =	vld [tilespmem:s26+$0x4580]  }
0x141: {  	v48 =	vld [tilespmem:s26+$0x4600];
	v3 =	vadd.f32 v11, v3  }
0x142: {  	v49 =	vld [tilespmem:s26+$0x4680];
	v47 =	vpop (erf)  }
0x143: {  	v6 =	vld [tilespmem:s24+$0x4900];
	v3 =	vadd.f32 v5, v3;
	v11 =	vadd.f32 $1.000000000e+00, v47  }
0x144: {  	v50 =	vld [tilespmem:s24+$0x4C00];
	v1 =	vadd.f32 v9, v1  }
0x145: {  	v51 =	vld [tilespmem:s26+$0x4780];
	v2 =	vadd.f32 v2, v3;
	(erf) = vrcp.f32 v11  }
0x146: {  	v52 =	vld [tilespmem:s24+$0x4D00];
	v1 =	vadd.f32 v10, v1  }
0x147: {  	v7 =	vld [tilespmem:s24+$0x4A00];
	v2 =	vadd.f32 v8, v2  }
0x148: {  	v1 =	vadd.f32 v6, v1;
	v6 =	vld [tilespmem:s26+$0x4700]  }
0x149: {  	v4 =	vld [tilespmem:s24+$0x4A80];
	v2 =	vadd.f32 v48, v2  }
0x14a: {  	v53 =	vld [tilespmem:s24+$0x4D80];
	v1 =	vadd.f32 v46, v1  }
0x14b: {  	v5 =	vld [tilespmem:s24+$0x4B00];
	v2 =	vadd.f32 v49, v2  }
0x14c: {  	v1 =	vadd.f32 v7, v1;
	v7 =	vld [tilespmem:s26+$0x4800]  }
0x14d: {  	v3 =	vld [tilespmem:s24+$0x4B80];
	v2 =	vadd.f32 v6, v2  }
0x14e: {  	v1 =	vadd.f32 v4, v1;
	v4 =	vld [tilespmem:s26+$0x4880];
	v6 =	vpop (erf)  }
0x14f: {  	v8 =	vld [tilespmem:s24+$0x4C80];
	v2 =	vadd.f32 v51, v2;
	[tilespmem:s23+$0x6900] =	vst v6  }
0x150: {  	v1 =	vadd.f32 v5, v1;
	v5 =	vld [tilespmem:s26+$0x4900]  }
0x151: {  	v2 =	vadd.f32 v7, v2  }
0x152: {  	v1 =	vadd.f32 v3, v1;
	v3 =	vld [tilespmem:s26+$0x4980]  }
0x153: {  	v2 =	vadd.f32 v4, v2  }
0x154: {  	v1 =	vadd.f32 v50, v1;
	v4 =	vld [tilespmem:s26+$0x4A00]  }
0x155: {  	v2 =	vadd.f32 v5, v2  }
0x156: {  	v1 =	vadd.f32 v8, v1;
	v5 =	vld [tilespmem:s26+$0x4A80]  }
0x157: {  	v2 =	vadd.f32 v3, v2  }
0x158: {  	v1 =	vadd.f32 v52, v1;
	v3 =	vld [tilespmem:s26+$0x4B00]  }
0x159: {  	v2 =	vadd.f32 v4, v2  }
0x15a: {  	v1 =	vadd.f32 v53, v1;
	v4 =	vld [tilespmem:s26+$0x4B80]  }
0x15b: {  	v2 =	vadd.f32 v5, v2  }
0x15c: {  	v1 =	vsub.f32 $0.0e+00, v1;
	v5 =	vld [tilespmem:s26+$0x4C00]  }
0x15d: {  	v2 =	vadd.f32 v3, v2  }
0x15e: {  	v1 =	vmul.f32 $1.442695020e+00, v1;
	v3 =	vld [tilespmem:s26+$0x4C80]  }
0x15f: {  	v2 =	vadd.f32 v4, v2  }
0x160: {  	(erf) = vpow2.f32 v1;
	v1 =	vld [tilespmem:s26+$0x4D00]  }
0x161: {  	v2 =	vadd.f32 v5, v2  }
0x162: {  	v4 =	vld [tilespmem:s26+$0x4D80]  }
0x163: {  	v2 =	vadd.f32 v3, v2;
	_ =	sdelay $0x1  }
0x164: {  	v1 =	vadd.f32 v1, v2;
	_ =	sdelay $0x1  }
0x165: {  	v1 =	vadd.f32 v4, v1;
	_ =	sdelay $0x1  }
0x166: {  	v2 =	vpop (erf);
	v1 =	vsub.f32 $0.0e+00, v1  }
0x167: {  	v2 =	vadd.f32 $1.000000000e+00, v2  }
0x168: {  	v1 =	vmul.f32 $1.442695020e+00, v1  }
0x169: {  	(erf) = vrcp.f32 v2  }
0x16a: {  	(erf) = vpow2.f32 v1;
	_ =	sdelay $0x7  }
0x16b: {  	v1 =	vpop (erf)  }
0x16c: {  	v2 =	vpop (erf)  }
0x16d: {  	v2 =	vadd.f32 $1.000000000e+00, v2;
	_ =	sdelay $0x1  }
0x16e: {  	(erf) = vrcp.f32 v2;
	_ =	sdelay $0x8  }
0x16f: {  	[tilespmem:s24+$0x6900] =	vst v1;
	v1 =	vpop (erf)  }
0x170: {  	[tilespmem:s26+$0x6900] =	vst v1  }
0x171: {  	_ =	swait.ge [sflag:s19], $0xD00  }
0x172: {  	[sflag:s19] =	ssyncset.done $0x0  }
0x173: {  	s25 =	simm.s32 $0x0;
	[sflag:s19] =	ssyncadd.s32 $0xFFFFF300  }
0x174: {  	v1 =	vld [tilespmem:s25+$0x4E00];
	_ =	sdelay $0x1  }
0x175: {  	v2 =	vld [tilespmem:s25+$0x4E80];
	_ =	sdelay $0x1  }
0x176: {  	v3 =	vld [tilespmem:s25+$0x4F00]  }
0x177: {  	v1 =	vadd.f32 v1, v0  }
0x178: {  	v4 =	vld [tilespmem:s25+$0x4F80]  }
0x179: {  	v1 =	vadd.f32 v2, v1  }
0x17a: {  	v2 =	vld [tilespmem:s25+$0x5000]  }
0x17b: {  	v1 =	vadd.f32 v3, v1  }
0x17c: {  	v3 =	vld [tilespmem:s25+$0x5080]  }
0x17d: {  	v1 =	vadd.f32 v4, v1  }
0x17e: {  	v4 =	vld [tilespmem:s25+$0x5100]  }
0x17f: {  	v1 =	vadd.f32 v2, v1  }
0x180: {  	v2 =	vld [tilespmem:s25+$0x5180]  }
0x181: {  	v1 =	vadd.f32 v3, v1  }
0x182: {  	v3 =	vld [tilespmem:s25+$0x5200]  }
0x183: {  	v1 =	vadd.f32 v4, v1  }
0x184: {  	v4 =	vld [tilespmem:s25+$0x5280]  }
0x185: {  	v1 =	vadd.f32 v2, v1  }
0x186: {  	v2 =	vld [tilespmem:s25+$0x5300]  }
0x187: {  	v1 =	vadd.f32 v3, v1  }
0x188: {  	s23 =	simm.s32 $0x10;
	v5 =	vld [tilespmem:s25+$0x5380]  }
0x189: {  	v6 =	vld [tilespmem:s23+$0x4E00];
	v1 =	vadd.f32 v4, v1  }
0x18a: {  	v3 =	vld [tilespmem:s25+$0x5400]  }
0x18b: {  	v7 =	vld [tilespmem:s23+$0x4E80];
	v1 =	vadd.f32 v2, v1  }
0x18c: {  	v4 =	vld [tilespmem:s25+$0x5480]  }
0x18d: {  	v8 =	vld [tilespmem:s23+$0x4F00];
	v1 =	vadd.f32 v5, v1  }
0x18e: {  	v2 =	vld [tilespmem:s25+$0x5500]  }
0x18f: {  	v54 =	vld [tilespmem:s23+$0x4F80];
	v1 =	vadd.f32 v3, v1  }
0x190: {  	v6 =	vadd.f32 v6, v0;
	v5 =	vld [tilespmem:s25+$0x5580]  }
0x191: {  	v55 =	vld [tilespmem:s23+$0x5100];
	v1 =	vadd.f32 v4, v1  }
0x192: {  	v6 =	vadd.f32 v7, v6;
	v3 =	vld [tilespmem:s25+$0x5600]  }
0x193: {  	v7 =	vld [tilespmem:s23+$0x5000];
	v1 =	vadd.f32 v2, v1  }
0x194: {  	v6 =	vadd.f32 v8, v6;
	v4 =	vld [tilespmem:s25+$0x5680]  }
0x195: {  	v8 =	vld [tilespmem:s23+$0x5080];
	v1 =	vadd.f32 v5, v1  }
0x196: {  	v6 =	vadd.f32 v54, v6;
	v2 =	vld [tilespmem:s25+$0x5700]  }
0x197: {  	v56 =	vld [tilespmem:s25+$0x5900];
	v1 =	vadd.f32 v3, v1  }
0x198: {  	v6 =	vadd.f32 v7, v6;
	v5 =	vld [tilespmem:s25+$0x5780]  }
0x199: {  	v7 =	vld [tilespmem:s23+$0x5180];
	v1 =	vadd.f32 v4, v1  }
0x19a: {  	v6 =	vadd.f32 v8, v6;
	v3 =	vld [tilespmem:s25+$0x5800]  }
0x19b: {  	v4 =	vld [tilespmem:s23+$0x5200];
	v1 =	vadd.f32 v2, v1  }
0x19c: {  	v8 =	vld [tilespmem:s25+$0x5880];
	v6 =	vadd.f32 v55, v6  }
0x19d: {  	s24 =	simm.s32 $0x20;
	v2 =	vld [tilespmem:s23+$0x5280];
	v1 =	vadd.f32 v5, v1  }
0x19e: {  	v57 =	vld [tilespmem:s24+$0x4E00];
	v6 =	vadd.f32 v7, v6  }
0x19f: {  	v5 =	vld [tilespmem:s23+$0x5300];
	v1 =	vadd.f32 v3, v1  }
0x1a0: {  	v7 =	vld [tilespmem:s25+$0x5980];
	v4 =	vadd.f32 v4, v6  }
0x1a1: {  	v3 =	vld [tilespmem:s23+$0x5380];
	v1 =	vadd.f32 v8, v1  }
0x1a2: {  	v6 =	vld [tilespmem:s25+$0x5A00];
	v2 =	vadd.f32 v2, v4  }
0x1a3: {  	v8 =	vld [tilespmem:s23+$0x5400];
	v1 =	vadd.f32 v56, v1  }
0x1a4: {  	v4 =	vld [tilespmem:s25+$0x5A80];
	v2 =	vadd.f32 v5, v2  }
0x1a5: {  	v5 =	vld [tilespmem:s23+$0x5480];
	v1 =	vadd.f32 v7, v1  }
0x1a6: {  	v58 =	vld [tilespmem:s24+$0x4E80];
	v2 =	vadd.f32 v3, v2  }
0x1a7: {  	v3 =	vld [tilespmem:s23+$0x5500];
	v1 =	vadd.f32 v6, v1  }
0x1a8: {  	v7 =	vld [tilespmem:s24+$0x4F00];
	v2 =	vadd.f32 v8, v2  }
0x1a9: {  	v8 =	vadd.f32 v57, v0;
	v6 =	vld [tilespmem:s23+$0x5580];
	v1 =	vadd.f32 v4, v1  }
0x1aa: {  	v59 =	vld [tilespmem:s24+$0x4F80];
	v2 =	vadd.f32 v5, v2  }
0x1ab: {  	v5 =	vadd.f32 v58, v8;
	v4 =	vld [tilespmem:s23+$0x5600];
	v1 =	vsub.f32 $0.0e+00, v1  }
0x1ac: {  	v8 =	vld [tilespmem:s24+$0x5000];
	v2 =	vadd.f32 v3, v2  }
0x1ad: {  	v3 =	vld [tilespmem:s23+$0x5680];
	v5 =	vadd.f32 v7, v5;
	v1 =	vmul.f32 $1.442695020e+00, v1  }
0x1ae: {  	v7 =	vld [tilespmem:s24+$0x5080];
	v2 =	vadd.f32 v6, v2  }
0x1af: {  	v6 =	vld [tilespmem:s23+$0x5700];
	v5 =	vadd.f32 v59, v5;
	(erf) = vpow2.f32 v1  }
0x1b0: {  	v60 =	vld [tilespmem:s24+$0x5100];
	v2 =	vadd.f32 v4, v2  }
0x1b1: {  	v4 =	vadd.f32 v8, v5;
	v1 =	vld [tilespmem:s23+$0x5780]  }
0x1b2: {  	v5 =	vld [tilespmem:s24+$0x5180];
	v2 =	vadd.f32 v3, v2  }
0x1b3: {  	v3 =	vld [tilespmem:s23+$0x5800];
	v4 =	vadd.f32 v7, v4  }
0x1b4: {  	v7 =	vld [tilespmem:s24+$0x5200];
	v2 =	vadd.f32 v6, v2  }
0x1b5: {  	v4 =	vadd.f32 v60, v4  }
0x1b6: {  	v6 =	vld [tilespmem:s23+$0x5880];
	v1 =	vadd.f32 v1, v2  }
0x1b7: {  	v8 =	vld [tilespmem:s24+$0x5280];
	v4 =	vadd.f32 v5, v4  }
0x1b8: {  	v2 =	vld [tilespmem:s23+$0x5900];
	v1 =	vadd.f32 v3, v1;
	v62 =	vpop (erf)  }
0x1b9: {  	v61 =	vld [tilespmem:s23+$0x5980];
	v4 =	vadd.f32 v7, v4;
	v7 =	vadd.f32 $1.000000000e+00, v62  }
0x1ba: {  	v5 =	vld [tilespmem:s24+$0x5300]  }
0x1bb: {  	v3 =	vld [tilespmem:s23+$0x5A00];
	v6 =	vadd.f32 v6, v1;
	(erf) = vrcp.f32 v7  }
0x1bc: {  	v1 =	vld [tilespmem:s24+$0x5380]  }
0x1bd: {  	v8 =	vadd.f32 v8, v4;
	v4 =	vld [tilespmem:s23+$0x5A80];
	v63 =	vadd.f32 v2, v6  }
0x1be: {  	s26 =	simm.s32 $0x30;
	v2 =	vld [tilespmem:s24+$0x5400]  }
0x1bf: {  	s28 =	simm.s32 $0x100;
	v6 =	vld [tilespmem:s26+$0x4E00];
	v5 =	vadd.f32 v5, v8;
	v7 =	vadd.f32 v61, v63  }
.LBB2_6:
0x1c0: {  	p0 =	sne.s32 s28, $0x1C0;
	v8 =	vld [tilespmem:s24+$0x5480]  }
0x1c1: {  	v9 =	vld [tilespmem:s26+$0x4E80];
	v1 =	vadd.f32 v1, v5;
	v3 =	vadd.f32 v3, v7  }
0x1c2: {  	v5 =	vld [tilespmem:s24+$0x5500]  }
0x1c3: {  	v7 =	vld [tilespmem:s26+$0x4F00];
	v1 =	vadd.f32 v2, v1;
	v2 =	vadd.f32 v4, v3  }
0x1c4: {  	v3 =	vadd.f32 v6, v0;
	v4 =	vld [tilespmem:s24+$0x5580];
	v6 =	vpop (erf)  }
0x1c5: {  	v10 =	vld [tilespmem:s26+$0x4F80];
	v1 =	vadd.f32 v8, v1;
	v2 =	vsub.f32 $0.0e+00, v2;
	[tilespmem:s25+$0x6980] =	vst v6;
	s25 =	smov.u32 s23;
	s23 =	smov.u32 s24;
	s24 =	smov.u32 s26  }
0x1c6: {  	v3 =	vadd.f32 v9, v3;
	v6 =	vld [tilespmem:s23+$0x5600]  }
0x1c7: {  	v8 =	vld [tilespmem:s24+$0x5000];
	v1 =	vadd.f32 v5, v1;
	v2 =	vmul.f32 $1.442695020e+00, v2  }
0x1c8: {  	v3 =	vadd.f32 v7, v3;
	v5 =	vld [tilespmem:s23+$0x5680]  }
0x1c9: {  	v7 =	vld [tilespmem:s24+$0x5080];
	v1 =	vadd.f32 v4, v1;
	(erf) = vpow2.f32 v2  }
0x1ca: {  	v2 =	vadd.f32 v10, v3;
	v3 =	vld [tilespmem:s23+$0x5700]  }
0x1cb: {  	v4 =	vld [tilespmem:s24+$0x5100];
	v1 =	vadd.f32 v6, v1  }
0x1cc: {  	v2 =	vadd.f32 v8, v2;
	v6 =	vld [tilespmem:s23+$0x5780]  }
0x1cd: {  	v8 =	vld [tilespmem:s24+$0x5180];
	v1 =	vadd.f32 v5, v1  }
0x1ce: {  	v2 =	vadd.f32 v7, v2;
	v5 =	vld [tilespmem:s23+$0x5800]  }
0x1cf: {  	v1 =	vadd.f32 v3, v1;
	v3 =	vld [tilespmem:s23+$0x5880]  }
0x1d0: {  	v2 =	vadd.f32 v4, v2;
	v4 =	vld [tilespmem:s24+$0x5200]  }
0x1d1: {  	v1 =	vadd.f32 v6, v1;
	v6 =	vld [tilespmem:s23+$0x5900]  }
0x1d2: {  	v2 =	vadd.f32 v8, v2;
	v7 =	vld [tilespmem:s24+$0x5280];
	v8 =	vpop (erf)  }
0x1d3: {  	v1 =	vadd.f32 v5, v1;
	v9 =	vld [tilespmem:s23+$0x5980];
	v5 =	vadd.f32 $1.000000000e+00, v8  }
0x1d4: {  	v8 =	vld [tilespmem:s24+$0x5300]  }
.Ltmp2:
0x1d5: {  	v2 =	vadd.f32 v4, v2;
	v4 =	vadd.f32 v3, v1;
	v3 =	vld [tilespmem:s23+$0x5A00];
	(erf) = vrcp.f32 v5;
	(pc) =	sbr.rel @p0 .LBB2_6-.Ltmp2, $4  }
0x1d6: {  	v1 =	vld [tilespmem:s24+$0x5380]  }
0x1d7: {  	v5 =	vadd.f32 v7, v2;
	v7 =	vadd.f32 v6, v4;
	v4 =	vld [tilespmem:s23+$0x5A80]  }
0x1d8: {  	s26 =	sshra.s32 s28, $0x2;
	v2 =	vld [tilespmem:s24+$0x5400]  }
0x1d9: {  	s28 =	sadd.s32 $0x40, s28;
	v6 =	vld [tilespmem:s26+$0x4E00];
	v5 =	vadd.f32 v8, v5;
	v7 =	vadd.f32 v9, v7  }
0x1da: {  	_ = 	snop  }
0x1db: {  	v3 =	vadd.f32 v3, v7  }
0x1dc: {  	v7 =	vld [tilespmem:s26+$0x4E80]  }
0x1dd: {  	v8 =	vld [tilespmem:s24+$0x5480];
	v3 =	vadd.f32 v4, v3  }
0x1de: {  	v4 =	vld [tilespmem:s26+$0x4F00]  }
0x1df: {  	v9 =	vld [tilespmem:s24+$0x5500];
	v6 =	vadd.f32 v6, v0;
	v3 =	vsub.f32 $0.0e+00, v3  }
0x1e0: {  	v12 =	vld [tilespmem:s26+$0x4F80];
	v11 =	vpop (erf)  }
0x1e1: {  	v10 =	vld [tilespmem:s24+$0x5580];
	[tilespmem:s25+$0x6980] =	vst v11;
	v6 =	vadd.f32 v7, v6;
	v3 =	vmul.f32 $1.442695020e+00, v3  }
0x1e2: {  	v7 =	vld [tilespmem:s26+$0x5000]  }
0x1e3: {  	v4 =	vadd.f32 v4, v6;
	(erf) = vpow2.f32 v3  }
0x1e4: {  	v3 =	vld [tilespmem:s26+$0x5080]  }
0x1e5: {  	v4 =	vadd.f32 v12, v4  }
0x1e6: {  	v1 =	vadd.f32 v1, v5;
	v11 =	vld [tilespmem:s26+$0x5100]  }
0x1e7: {  	v46 =	vld [tilespmem:s24+$0x5680];
	v4 =	vadd.f32 v7, v4  }
0x1e8: {  	v1 =	vadd.f32 v2, v1;
	v5 =	vld [tilespmem:s26+$0x5180]  }
0x1e9: {  	v2 =	vld [tilespmem:s26+$0x5200];
	v3 =	vadd.f32 v3, v4  }
0x1ea: {  	v1 =	vadd.f32 v8, v1;
	v8 =	vld [tilespmem:s26+$0x5280]  }
0x1eb: {  	v48 =	vld [tilespmem:s26+$0x5300];
	v3 =	vadd.f32 v11, v3  }
0x1ec: {  	v49 =	vld [tilespmem:s26+$0x5380];
	v47 =	vpop (erf)  }
0x1ed: {  	v6 =	vld [tilespmem:s24+$0x5600];
	v3 =	vadd.f32 v5, v3;
	v11 =	vadd.f32 $1.000000000e+00, v47  }
0x1ee: {  	v50 =	vld [tilespmem:s24+$0x5900];
	v1 =	vadd.f32 v9, v1  }
0x1ef: {  	v51 =	vld [tilespmem:s26+$0x5480];
	v2 =	vadd.f32 v2, v3;
	(erf) = vrcp.f32 v11  }
0x1f0: {  	v52 =	vld [tilespmem:s24+$0x5A00];
	v1 =	vadd.f32 v10, v1  }
0x1f1: {  	v7 =	vld [tilespmem:s24+$0x5700];
	v2 =	vadd.f32 v8, v2  }
0x1f2: {  	v1 =	vadd.f32 v6, v1;
	v6 =	vld [tilespmem:s26+$0x5400]  }
0x1f3: {  	v4 =	vld [tilespmem:s24+$0x5780];
	v2 =	vadd.f32 v48, v2  }
0x1f4: {  	v53 =	vld [tilespmem:s24+$0x5A80];
	v1 =	vadd.f32 v46, v1  }
0x1f5: {  	v5 =	vld [tilespmem:s24+$0x5800];
	v2 =	vadd.f32 v49, v2  }
0x1f6: {  	v1 =	vadd.f32 v7, v1;
	v7 =	vld [tilespmem:s26+$0x5500]  }
0x1f7: {  	v3 =	vld [tilespmem:s24+$0x5880];
	v2 =	vadd.f32 v6, v2  }
0x1f8: {  	v1 =	vadd.f32 v4, v1;
	v4 =	vld [tilespmem:s26+$0x5580];
	v6 =	vpop (erf)  }
0x1f9: {  	v8 =	vld [tilespmem:s24+$0x5980];
	v2 =	vadd.f32 v51, v2;
	[tilespmem:s23+$0x6980] =	vst v6  }
0x1fa: {  	v1 =	vadd.f32 v5, v1;
	v5 =	vld [tilespmem:s26+$0x5600]  }
0x1fb: {  	v2 =	vadd.f32 v7, v2  }
0x1fc: {  	v1 =	vadd.f32 v3, v1;
	v3 =	vld [tilespmem:s26+$0x5680]  }
0x1fd: {  	v2 =	vadd.f32 v4, v2  }
0x1fe: {  	v1 =	vadd.f32 v50, v1;
	v4 =	vld [tilespmem:s26+$0x5700]  }
0x1ff: {  	v2 =	vadd.f32 v5, v2  }
0x200: {  	v1 =	vadd.f32 v8, v1;
	v5 =	vld [tilespmem:s26+$0x5780]  }
0x201: {  	v2 =	vadd.f32 v3, v2  }
0x202: {  	v1 =	vadd.f32 v52, v1;
	v3 =	vld [tilespmem:s26+$0x5800]  }
0x203: {  	v2 =	vadd.f32 v4, v2  }
0x204: {  	v1 =	vadd.f32 v53, v1;
	v4 =	vld [tilespmem:s26+$0x5880]  }
0x205: {  	v2 =	vadd.f32 v5, v2  }
0x206: {  	v1 =	vsub.f32 $0.0e+00, v1;
	v5 =	vld [tilespmem:s26+$0x5900]  }
0x207: {  	v2 =	vadd.f32 v3, v2  }
0x208: {  	v1 =	vmul.f32 $1.442695020e+00, v1;
	v3 =	vld [tilespmem:s26+$0x5980]  }
0x209: {  	v2 =	vadd.f32 v4, v2  }
0x20a: {  	(erf) = vpow2.f32 v1;
	v1 =	vld [tilespmem:s26+$0x5A00]  }
0x20b: {  	v2 =	vadd.f32 v5, v2  }
0x20c: {  	v4 =	vld [tilespmem:s26+$0x5A80]  }
0x20d: {  	v2 =	vadd.f32 v3, v2;
	_ =	sdelay $0x1  }
0x20e: {  	v1 =	vadd.f32 v1, v2;
	_ =	sdelay $0x1  }
0x20f: {  	v1 =	vadd.f32 v4, v1;
	_ =	sdelay $0x1  }
0x210: {  	v2 =	vpop (erf);
	v1 =	vsub.f32 $0.0e+00, v1  }
0x211: {  	v2 =	vadd.f32 $1.000000000e+00, v2  }
0x212: {  	v1 =	vmul.f32 $1.442695020e+00, v1  }
0x213: {  	(erf) = vrcp.f32 v2  }
0x214: {  	(erf) = vpow2.f32 v1;
	_ =	sdelay $0x7  }
0x215: {  	v1 =	vpop (erf)  }
0x216: {  	v2 =	vpop (erf)  }
0x217: {  	v2 =	vadd.f32 $1.000000000e+00, v2;
	_ =	sdelay $0x1  }
0x218: {  	(erf) = vrcp.f32 v2;
	_ =	sdelay $0x8  }
0x219: {  	[tilespmem:s24+$0x6980] =	vst v1;
	v1 =	vpop (erf)  }
0x21a: {  	[tilespmem:s26+$0x6980] =	vst v1  }
0x21b: {  	_ =	swait.ge [sflag:s20], $0xD00  }
0x21c: {  	[sflag:s20] =	ssyncset.done $0x0  }
0x21d: {  	s25 =	simm.s32 $0x0;
	[sflag:s20] =	ssyncadd.s32 $0xFFFFF300  }
0x21e: {  	v1 =	vld [tilespmem:s25+$0x5B00];
	_ =	sdelay $0x1  }
0x21f: {  	v2 =	vld [tilespmem:s25+$0x5B80];
	_ =	sdelay $0x1  }
0x220: {  	v3 =	vld [tilespmem:s25+$0x5C00]  }
0x221: {  	v1 =	vadd.f32 v1, v0  }
0x222: {  	v4 =	vld [tilespmem:s25+$0x5C80]  }
0x223: {  	v1 =	vadd.f32 v2, v1  }
0x224: {  	v2 =	vld [tilespmem:s25+$0x5D00]  }
0x225: {  	v1 =	vadd.f32 v3, v1  }
0x226: {  	v3 =	vld [tilespmem:s25+$0x5D80]  }
0x227: {  	v1 =	vadd.f32 v4, v1  }
0x228: {  	v4 =	vld [tilespmem:s25+$0x5E00]  }
0x229: {  	v1 =	vadd.f32 v2, v1  }
0x22a: {  	v2 =	vld [tilespmem:s25+$0x5E80]  }
0x22b: {  	v1 =	vadd.f32 v3, v1  }
0x22c: {  	v3 =	vld [tilespmem:s25+$0x5F00]  }
0x22d: {  	v1 =	vadd.f32 v4, v1  }
0x22e: {  	v4 =	vld [tilespmem:s25+$0x5F80]  }
0x22f: {  	v1 =	vadd.f32 v2, v1  }
0x230: {  	v2 =	vld [tilespmem:s25+$0x6000]  }
0x231: {  	v1 =	vadd.f32 v3, v1  }
0x232: {  	s23 =	simm.s32 $0x10;
	v5 =	vld [tilespmem:s25+$0x6080]  }
0x233: {  	v6 =	vld [tilespmem:s23+$0x5B00];
	v1 =	vadd.f32 v4, v1  }
0x234: {  	v3 =	vld [tilespmem:s25+$0x6100]  }
0x235: {  	v7 =	vld [tilespmem:s23+$0x5B80];
	v1 =	vadd.f32 v2, v1  }
0x236: {  	v4 =	vld [tilespmem:s25+$0x6180]  }
0x237: {  	v8 =	vld [tilespmem:s23+$0x5C00];
	v1 =	vadd.f32 v5, v1  }
0x238: {  	v2 =	vld [tilespmem:s25+$0x6200]  }
0x239: {  	v54 =	vld [tilespmem:s23+$0x5C80];
	v1 =	vadd.f32 v3, v1  }
0x23a: {  	v6 =	vadd.f32 v6, v0;
	v5 =	vld [tilespmem:s25+$0x6280]  }
0x23b: {  	v55 =	vld [tilespmem:s23+$0x5E00];
	v1 =	vadd.f32 v4, v1  }
0x23c: {  	v6 =	vadd.f32 v7, v6;
	v3 =	vld [tilespmem:s25+$0x6300]  }
0x23d: {  	v7 =	vld [tilespmem:s23+$0x5D00];
	v1 =	vadd.f32 v2, v1  }
0x23e: {  	v6 =	vadd.f32 v8, v6;
	v4 =	vld [tilespmem:s25+$0x6380]  }
0x23f: {  	v8 =	vld [tilespmem:s23+$0x5D80];
	v1 =	vadd.f32 v5, v1  }
0x240: {  	v6 =	vadd.f32 v54, v6;
	v2 =	vld [tilespmem:s25+$0x6400]  }
0x241: {  	v56 =	vld [tilespmem:s25+$0x6600];
	v1 =	vadd.f32 v3, v1  }
0x242: {  	v6 =	vadd.f32 v7, v6;
	v5 =	vld [tilespmem:s25+$0x6480]  }
0x243: {  	v7 =	vld [tilespmem:s23+$0x5E80];
	v1 =	vadd.f32 v4, v1  }
0x244: {  	v6 =	vadd.f32 v8, v6;
	v3 =	vld [tilespmem:s25+$0x6500]  }
0x245: {  	v4 =	vld [tilespmem:s23+$0x5F00];
	v1 =	vadd.f32 v2, v1  }
0x246: {  	v8 =	vld [tilespmem:s25+$0x6580];
	v6 =	vadd.f32 v55, v6  }
0x247: {  	s24 =	simm.s32 $0x20;
	v2 =	vld [tilespmem:s23+$0x5F80];
	v1 =	vadd.f32 v5, v1  }
0x248: {  	v57 =	vld [tilespmem:s24+$0x5B00];
	v6 =	vadd.f32 v7, v6  }
0x249: {  	v5 =	vld [tilespmem:s23+$0x6000];
	v1 =	vadd.f32 v3, v1  }
0x24a: {  	v7 =	vld [tilespmem:s25+$0x6680];
	v4 =	vadd.f32 v4, v6  }
0x24b: {  	v3 =	vld [tilespmem:s23+$0x6080];
	v1 =	vadd.f32 v8, v1  }
0x24c: {  	v6 =	vld [tilespmem:s25+$0x6700];
	v2 =	vadd.f32 v2, v4  }
0x24d: {  	v8 =	vld [tilespmem:s23+$0x6100];
	v1 =	vadd.f32 v56, v1  }
0x24e: {  	v4 =	vld [tilespmem:s25+$0x6780];
	v2 =	vadd.f32 v5, v2  }
0x24f: {  	v5 =	vld [tilespmem:s23+$0x6180];
	v1 =	vadd.f32 v7, v1  }
0x250: {  	v58 =	vld [tilespmem:s24+$0x5B80];
	v2 =	vadd.f32 v3, v2  }
0x251: {  	v3 =	vld [tilespmem:s23+$0x6200];
	v1 =	vadd.f32 v6, v1  }
0x252: {  	v7 =	vld [tilespmem:s24+$0x5C00];
	v2 =	vadd.f32 v8, v2  }
0x253: {  	v8 =	vadd.f32 v57, v0;
	v6 =	vld [tilespmem:s23+$0x6280];
	v1 =	vadd.f32 v4, v1  }
0x254: {  	v59 =	vld [tilespmem:s24+$0x5C80];
	v2 =	vadd.f32 v5, v2  }
0x255: {  	v5 =	vadd.f32 v58, v8;
	v4 =	vld [tilespmem:s23+$0x6300];
	v1 =	vsub.f32 $0.0e+00, v1  }
0x256: {  	v8 =	vld [tilespmem:s24+$0x5D00];
	v2 =	vadd.f32 v3, v2  }
0x257: {  	v3 =	vld [tilespmem:s23+$0x6380];
	v5 =	vadd.f32 v7, v5;
	v1 =	vmul.f32 $1.442695020e+00, v1  }
0x258: {  	v7 =	vld [tilespmem:s24+$0x5D80];
	v2 =	vadd.f32 v6, v2  }
0x259: {  	v6 =	vld [tilespmem:s23+$0x6400];
	v5 =	vadd.f32 v59, v5;
	(erf) = vpow2.f32 v1  }
0x25a: {  	v60 =	vld [tilespmem:s24+$0x5E00];
	v2 =	vadd.f32 v4, v2  }
0x25b: {  	v4 =	vadd.f32 v8, v5;
	v1 =	vld [tilespmem:s23+$0x6480]  }
0x25c: {  	v5 =	vld [tilespmem:s24+$0x5E80];
	v2 =	vadd.f32 v3, v2  }
0x25d: {  	v3 =	vld [tilespmem:s23+$0x6500];
	v4 =	vadd.f32 v7, v4  }
0x25e: {  	v7 =	vld [tilespmem:s24+$0x5F00];
	v2 =	vadd.f32 v6, v2  }
0x25f: {  	v4 =	vadd.f32 v60, v4  }
0x260: {  	v6 =	vld [tilespmem:s23+$0x6580];
	v1 =	vadd.f32 v1, v2  }
0x261: {  	v8 =	vld [tilespmem:s24+$0x5F80];
	v4 =	vadd.f32 v5, v4  }
0x262: {  	v2 =	vld [tilespmem:s23+$0x6600];
	v1 =	vadd.f32 v3, v1;
	v62 =	vpop (erf)  }
0x263: {  	v61 =	vld [tilespmem:s23+$0x6680];
	v4 =	vadd.f32 v7, v4;
	v7 =	vadd.f32 $1.000000000e+00, v62  }
0x264: {  	v5 =	vld [tilespmem:s24+$0x6000]  }
0x265: {  	v3 =	vld [tilespmem:s23+$0x6700];
	v6 =	vadd.f32 v6, v1;
	(erf) = vrcp.f32 v7  }
0x266: {  	v1 =	vld [tilespmem:s24+$0x6080]  }
0x267: {  	v8 =	vadd.f32 v8, v4;
	v4 =	vld [tilespmem:s23+$0x6780];
	v63 =	vadd.f32 v2, v6  }
0x268: {  	s26 =	simm.s32 $0x30;
	v2 =	vld [tilespmem:s24+$0x6100]  }
0x269: {  	s28 =	simm.s32 $0x100;
	v6 =	vld [tilespmem:s26+$0x5B00];
	v5 =	vadd.f32 v5, v8;
	v7 =	vadd.f32 v61, v63  }
.LBB2_8:
0x26a: {  	p0 =	sne.s32 s28, $0x1C0;
	v8 =	vld [tilespmem:s24+$0x6180]  }
0x26b: {  	v9 =	vld [tilespmem:s26+$0x5B80];
	v1 =	vadd.f32 v1, v5;
	v3 =	vadd.f32 v3, v7  }
0x26c: {  	v5 =	vld [tilespmem:s24+$0x6200]  }
0x26d: {  	v7 =	vld [tilespmem:s26+$0x5C00];
	v1 =	vadd.f32 v2, v1;
	v2 =	vadd.f32 v4, v3  }
0x26e: {  	v3 =	vadd.f32 v6, v0;
	v4 =	vld [tilespmem:s24+$0x6280];
	v6 =	vpop (erf)  }
0x26f: {  	v10 =	vld [tilespmem:s26+$0x5C80];
	v1 =	vadd.f32 v8, v1;
	v2 =	vsub.f32 $0.0e+00, v2;
	[tilespmem:s25+$0x6A00] =	vst v6;
	s25 =	smov.u32 s23;
	s23 =	smov.u32 s24;
	s24 =	smov.u32 s26  }
0x270: {  	v3 =	vadd.f32 v9, v3;
	v6 =	vld [tilespmem:s23+$0x6300]  }
0x271: {  	v8 =	vld [tilespmem:s24+$0x5D00];
	v1 =	vadd.f32 v5, v1;
	v2 =	vmul.f32 $1.442695020e+00, v2  }
0x272: {  	v3 =	vadd.f32 v7, v3;
	v5 =	vld [tilespmem:s23+$0x6380]  }
0x273: {  	v7 =	vld [tilespmem:s24+$0x5D80];
	v1 =	vadd.f32 v4, v1;
	(erf) = vpow2.f32 v2  }
0x274: {  	v2 =	vadd.f32 v10, v3;
	v3 =	vld [tilespmem:s23+$0x6400]  }
0x275: {  	v4 =	vld [tilespmem:s24+$0x5E00];
	v1 =	vadd.f32 v6, v1  }
0x276: {  	v2 =	vadd.f32 v8, v2;
	v6 =	vld [tilespmem:s23+$0x6480]  }
0x277: {  	v8 =	vld [tilespmem:s24+$0x5E80];
	v1 =	vadd.f32 v5, v1  }
0x278: {  	v2 =	vadd.f32 v7, v2;
	v5 =	vld [tilespmem:s23+$0x6500]  }
0x279: {  	v1 =	vadd.f32 v3, v1;
	v3 =	vld [tilespmem:s23+$0x6580]  }
0x27a: {  	v2 =	vadd.f32 v4, v2;
	v4 =	vld [tilespmem:s24+$0x5F00]  }
0x27b: {  	v1 =	vadd.f32 v6, v1;
	v6 =	vld [tilespmem:s23+$0x6600]  }
0x27c: {  	v2 =	vadd.f32 v8, v2;
	v7 =	vld [tilespmem:s24+$0x5F80];
	v8 =	vpop (erf)  }
0x27d: {  	v1 =	vadd.f32 v5, v1;
	v9 =	vld [tilespmem:s23+$0x6680];
	v5 =	vadd.f32 $1.000000000e+00, v8  }
0x27e: {  	v8 =	vld [tilespmem:s24+$0x6000]  }
.Ltmp3:
0x27f: {  	v2 =	vadd.f32 v4, v2;
	v4 =	vadd.f32 v3, v1;
	v3 =	vld [tilespmem:s23+$0x6700];
	(erf) = vrcp.f32 v5;
	(pc) =	sbr.rel @p0 .LBB2_8-.Ltmp3, $4  }
0x280: {  	v1 =	vld [tilespmem:s24+$0x6080]  }
0x281: {  	v5 =	vadd.f32 v7, v2;
	v7 =	vadd.f32 v6, v4;
	v4 =	vld [tilespmem:s23+$0x6780]  }
0x282: {  	s26 =	sshra.s32 s28, $0x2;
	v2 =	vld [tilespmem:s24+$0x6100]  }
0x283: {  	s28 =	sadd.s32 $0x40, s28;
	v6 =	vld [tilespmem:s26+$0x5B00];
	v5 =	vadd.f32 v8, v5;
	v7 =	vadd.f32 v9, v7  }
0x284: {  	_ = 	snop  }
0x285: {  	v3 =	vadd.f32 v3, v7  }
0x286: {  	v25 =	vld [tilespmem:s26+$0x5B80]  }
0x287: {  	v8 =	vld [tilespmem:s24+$0x6180];
	v3 =	vadd.f32 v4, v3  }
0x288: {  	v26 =	vld [tilespmem:s26+$0x5C00]  }
0x289: {  	v9 =	vld [tilespmem:s24+$0x6200];
	v0 =	vadd.f32 v6, v0;
	v3 =	vsub.f32 $0.0e+00, v3  }
0x28a: {  	v11 =	vld [tilespmem:s26+$0x5C80];
	v10 =	vpop (erf)  }
0x28b: {  	v27 =	vld [tilespmem:s24+$0x6280];
	[tilespmem:s25+$0x6A00] =	vst v10;
	v0 =	vadd.f32 v25, v0;
	v3 =	vmul.f32 $1.442695020e+00, v3  }
0x28c: {  	v28 =	vld [tilespmem:s26+$0x5D00]  }
0x28d: {  	v0 =	vadd.f32 v26, v0;
	(erf) = vpow2.f32 v3  }
0x28e: {  	v29 =	vld [tilespmem:s26+$0x5D80]  }
0x28f: {  	v0 =	vadd.f32 v11, v0  }
0x290: {  	v10 =	vld [tilespmem:s26+$0x5E00]  }
0x291: {  	v30 =	vld [tilespmem:s24+$0x6300];
	v0 =	vadd.f32 v28, v0  }
0x292: {  	v1 =	vadd.f32 v1, v5;
	v32 =	vld [tilespmem:s26+$0x5E80]  }
0x293: {  	v31 =	vld [tilespmem:s24+$0x6380];
	v0 =	vadd.f32 v29, v0  }
0x294: {  	v1 =	vadd.f32 v2, v1;
	v34 =	vld [tilespmem:s26+$0x5F00]  }
0x295: {  	v33 =	vld [tilespmem:s24+$0x6400];
	v0 =	vadd.f32 v10, v0  }
0x296: {  	v1 =	vadd.f32 v8, v1;
	v36 =	vld [tilespmem:s26+$0x5F80];
	v37 =	vpop (erf)  }
0x297: {  	v35 =	vld [tilespmem:s24+$0x6480];
	v0 =	vadd.f32 v32, v0;
	v10 =	vadd.f32 $1.000000000e+00, v37  }
0x298: {  	v39 =	vld [tilespmem:s26+$0x6000];
	v1 =	vadd.f32 v9, v1  }
0x299: {  	v38 =	vld [tilespmem:s24+$0x6500];
	v0 =	vadd.f32 v34, v0;
	(erf) = vrcp.f32 v10  }
0x29a: {  	v41 =	vld [tilespmem:s26+$0x6080];
	v1 =	vadd.f32 v27, v1  }
0x29b: {  	v40 =	vld [tilespmem:s24+$0x6580];
	v0 =	vadd.f32 v36, v0  }
0x29c: {  	v43 =	vld [tilespmem:s26+$0x6100];
	v1 =	vadd.f32 v30, v1  }
0x29d: {  	v42 =	vld [tilespmem:s24+$0x6600];
	v0 =	vadd.f32 v39, v0  }
0x29e: {  	v45 =	vld [tilespmem:s26+$0x6180];
	v1 =	vadd.f32 v31, v1  }
0x29f: {  	v44 =	vld [tilespmem:s24+$0x6680];
	v0 =	vadd.f32 v41, v0  }
0x2a0: {  	v47 =	vld [tilespmem:s26+$0x6200];
	v1 =	vadd.f32 v33, v1  }
0x2a1: {  	v46 =	vld [tilespmem:s24+$0x6700];
	v0 =	vadd.f32 v43, v0  }
0x2a2: {  	v49 =	vld [tilespmem:s26+$0x6280];
	v1 =	vadd.f32 v35, v1;
	v50 =	vpop (erf)  }
0x2a3: {  	v48 =	vld [tilespmem:s24+$0x6780];
	v0 =	vadd.f32 v45, v0;
	[tilespmem:s23+$0x6A00] =	vst v50  }
0x2a4: {  	v1 =	vadd.f32 v38, v1;
	v4 =	vld [tilespmem:s26+$0x6300]  }
0x2a5: {  	v0 =	vadd.f32 v47, v0  }
0x2a6: {  	v1 =	vadd.f32 v40, v1;
	v51 =	vld [tilespmem:s26+$0x6380]  }
0x2a7: {  	v0 =	vadd.f32 v49, v0  }
0x2a8: {  	v1 =	vadd.f32 v42, v1;
	v52 =	vld [tilespmem:s26+$0x6400]  }
0x2a9: {  	v0 =	vadd.f32 v4, v0  }
0x2aa: {  	v1 =	vadd.f32 v44, v1;
	v53 =	vld [tilespmem:s26+$0x6480]  }
0x2ab: {  	v0 =	vadd.f32 v51, v0  }
0x2ac: {  	v1 =	vadd.f32 v46, v1;
	v54 =	vld [tilespmem:s26+$0x6500]  }
0x2ad: {  	v0 =	vadd.f32 v52, v0  }
0x2ae: {  	v1 =	vadd.f32 v48, v1;
	v55 =	vld [tilespmem:s26+$0x6580]  }
0x2af: {  	v0 =	vadd.f32 v53, v0  }
0x2b0: {  	v1 =	vsub.f32 $0.0e+00, v1;
	v56 =	vld [tilespmem:s26+$0x6600]  }
0x2b1: {  	v0 =	vadd.f32 v54, v0  }
0x2b2: {  	v57 =	vld [tilespmem:s26+$0x6680];
	v1 =	vmul.f32 $1.442695020e+00, v1  }
0x2b3: {  	v0 =	vadd.f32 v55, v0  }
0x2b4: {  	v58 =	vld [tilespmem:s26+$0x6700];
	(erf) = vpow2.f32 v1  }
0x2b5: {  	v0 =	vadd.f32 v56, v0  }
0x2b6: {  	v59 =	vld [tilespmem:s26+$0x6780]  }
0x2b7: {  	v0 =	vadd.f32 v57, v0;
	_ =	sdelay $0x1  }
0x2b8: {  	v0 =	vadd.f32 v58, v0;
	_ =	sdelay $0x1  }
0x2b9: {  	v0 =	vadd.f32 v59, v0;
	_ =	sdelay $0x1  }
0x2ba: {  	v60 =	vpop (erf);
	v0 =	vsub.f32 $0.0e+00, v0  }
0x2bb: {  	v1 =	vadd.f32 $1.000000000e+00, v60  }
0x2bc: {  	v0 =	vmul.f32 $1.442695020e+00, v0  }
0x2bd: {  	(erf) = vrcp.f32 v1  }
0x2be: {  	(erf) = vpow2.f32 v0;
	_ =	sdelay $0x7  }
0x2bf: {  	v61 =	vpop (erf)  }
0x2c0: {  	v62 =	vpop (erf)  }
0x2c1: {  	v1 =	vadd.f32 $1.000000000e+00, v62;
	_ =	sdelay $0x1  }
0x2c2: {  	(erf) = vrcp.f32 v1;
	_ =	sdelay $0x7  }
0x2c3: {  	s22 =	sadd.s32 $0x1, s22  }
0x2c4: {  	p0 =	sne.s32 s22, s7;
	[tilespmem:s24+$0x6A00] =	vst v61;
	v63 =	vpop (erf)  }
.Ltmp4:
0x2c5: {  	[tilespmem:s26+$0x6A00] =	vst v63;
	(pc) =	sbr.rel @p0 .LBB2_1-.Ltmp4, $4  }
0x2c6: {  	[hbm4b:s6+s3] =	stream.linear.scatter [tilespmem:s21], [sflag:$0x5], $0x200, $0x38;
	[tilespmem:$0x6A80] =	vst v63  }
0x2c7: {  	_ =	swait.ge [sflag:s8], $0x200  }
0x2c8: {  	[sflag:s8] =	ssyncset.done $0x0  }
0x2c9: {  	[sflag:s8] =	ssyncadd.s32 $0xFFFFFE00  }
0x2ca: {  	_ =	sfence.sel $0x180000  }
0x2cb: {  	[bflag:$0x0] =	sbarrier.arrive $0xFFFF  }
0x2cc: {  	p0 =	sne.s32 s0, $0x0;
	_ =	strace $0x9000004A  }
0x2cd: {  	s0 =	sadd.s32 @!p0 $0x100000, s1;
	[bflag:$0x2] =	sbarrier.arrive $0xFFFF  }
0x2ce: {  	[sflag:s0] =	ssyncadd.tile.s32 @!p0 $0x1;
	_ =	shalt  }
.Lfunc_end2:
_tile_overlayer_lowered:
.L_overlay_start_2:
0x2cf: {  	(tag) =	ssettag $0x2  }
0x2d0: {  	s0 =	rddreg [dreg:$0x0];
	s2 =	stileid.u32  }
0x2d1: {  	s1 =	rddreg [dreg:$0x1];
	p0 =	sne.s32 s2, $0x0  }
0x2d2: {  	s3 =	rddreg [dreg:$0x2];
	[bflag:$0x3] =	sbarrier.arrive $0xFFFF;
	s2 =	simm.s32 @!p0 $0x1C05  }
0x2d3: {  	[timem:s3], [sflag:s2] =	dma.local @!p0 [hbm:s0], s1  }
0x2d4: {  	s0 =	simm.s32 @!p0 $0x5  }
0x2d5: {  	_ =	swait.ge @!p0 [sflag:s0], s1  }
0x2d6: {  	s1 =	ssub.s32 @!p0 $0x0, s1;
	[sflag:s0] =	ssyncset.done @!p0 $0x0  }
0x2d7: {  	[sflag:s0] =	ssyncadd.s32 @!p0 s1  }
0x2d8: {  	[bflag:$0x3] =	sbarrier.arrive $0xFFFF  }
0x2d9: {  	_ =	shalt  }

</sc_bundles>
